<compile_context>
chip_gen: v7x
topology: tpu7x:2x2x1
jax: 0.10.2.dev20260603
libtpu: 0.0.44.dev20260713+nightly
codegen_flags: <defaults>
</compile_context>

<pallas_src>
import functools

import numpy as np

import jax
import jax.numpy as jnp
from jax import lax
from jax.experimental import pallas as pl
from jax.experimental.pallas import tpu as pltpu
from jax.experimental.pallas import tpu_sc as plsc

N = 10000
D = 128
G = 12
EPS = 1e-5

NC = 2
NS = 16
N_PAD = 10240
ROWS_PER_TILE = N_PAD // NS
DUMMY = 10100

E = 320000
CH = 128
T_PER_TILE = 10240
NCH = T_PER_TILE // CH
EP = NC * NS * T_PER_TILE
EP_ARR = EP + 2 * CH

CW = 32
BR = 1024



_mesh = plsc.VectorSubcoreMesh(core_axis_name="c", subcore_axis_name="s")


@functools.partial(
    pl.kernel,
    mesh=_mesh,
    out_type=jax.ShapeDtypeStruct((NC * N_PAD, D), jnp.float32),
    scratch_types=[
        pltpu.VMEM((T_PER_TILE + 2 * CH,), jnp.int32),
        pltpu.VMEM((CH,), jnp.int32),
        pltpu.VMEM((CH,), jnp.int32),
        pltpu.VMEM((CH, D), jnp.float32),
        pltpu.VMEM((CH, D), jnp.float32),
        pltpu.VMEM_SHARED((N_PAD, D), jnp.float32),
        pltpu.SemaphoreType.DMA,
        pltpu.SemaphoreType.DMA,
        pltpu.SemaphoreType.DMA,
        pltpu.SemaphoreType.DMA,
        pltpu.SemaphoreType.DMA,
        pltpu.SemaphoreType.DMA,
    ],
)
def _sc_scatter(hh, srcp, dstp, out, idx_all, dd0, dd1, rows0, rows1, acc,
                semg0, semg1, semd0, semd1, sems0, sems1):
    c = lax.axis_index("c")
    s = lax.axis_index("s")
    r0 = s * ROWS_PER_TILE
    tbase = (c * NS + s) * T_PER_TILE
    pltpu.sync_copy(hh.at[pl.ds(r0, ROWS_PER_TILE)],
                    acc.at[pl.ds(r0, ROWS_PER_TILE)])
    pltpu.sync_copy(srcp.at[pl.ds(tbase, T_PER_TILE + 2 * CH)], idx_all)
    plsc.subcore_barrier()

    def fire(i, rows, semg, dd, semd):
        pltpu.async_copy(hh.at[idx_all.at[pl.ds(i * CH, CH)]], rows, semg)
        pltpu.async_copy(dstp.at[pl.ds(tbase + i * CH, CH)], dd, semd)

    def wait(rows, semg, dd, semd):
        pltpu.make_async_copy(hh.at[idx_all.at[pl.ds(0, CH)]], rows,
                              semg).wait()
        pltpu.make_async_copy(dstp.at[pl.ds(tbase, CH)], dd, semd).wait()

    fire(0, rows0, semg0, dd0, semd0)
    fire(1, rows1, semg1, dd1, semd1)

    def pair(j, carry):
        e = 2 * j
        wait(rows0, semg0, dd0, semd0)
        pltpu.sync_copy(rows0, acc.at[dd0], add=True)
        fire(e + 2, rows0, semg0, dd0, semd0)
        wait(rows1, semg1, dd1, semd1)
        pltpu.sync_copy(rows1, acc.at[dd1], add=True)
        fire(e + 3, rows1, semg1, dd1, semd1)
        return carry

    lax.fori_loop(0, NCH // 2, pair, 0)
    wait(rows0, semg0, dd0, semd0)
    wait(rows1, semg1, dd1, semd1)
    plsc.subcore_barrier()
    pltpu.sync_copy(acc.at[pl.ds(r0, ROWS_PER_TILE)],
                    out.at[pl.ds(c * N_PAD + r0, ROWS_PER_TILE)])


@functools.partial(
    pl.kernel,
    mesh=_mesh,
    out_type=jax.ShapeDtypeStruct((NC * N_PAD, CW), jnp.float32),
    scratch_types=[
        pltpu.VMEM((CH,), jnp.int32),
        pltpu.VMEM((CH,), jnp.int32),
        pltpu.VMEM((CH, CW), jnp.float32),
        pltpu.VMEM_SHARED((N_PAD, CW), jnp.float32),
        pltpu.SemaphoreType.DMA,
        pltpu.SemaphoreType.DMA,
        pltpu.SemaphoreType.DMA,
        pltpu.SemaphoreType.DMA,
    ],
)
def _sc_count(ones_mat, dstp, out, dd0, dd1, ones_rows, acc, semd0, semd1,
              sems0, sems1):
    c = lax.axis_index("c")
    s = lax.axis_index("s")
    r0 = s * ROWS_PER_TILE
    tbase = (c * NS + s) * T_PER_TILE
    pltpu.sync_copy(ones_mat.at[pl.ds(r0, ROWS_PER_TILE)],
                    acc.at[pl.ds(r0, ROWS_PER_TILE)])
    pltpu.sync_copy(ones_mat.at[pl.ds(0, CH)], ones_rows)
    plsc.subcore_barrier()

    def fire(i, dd, semd):
        pltpu.async_copy(dstp.at[pl.ds(tbase + i * CH, CH)], dd, semd)

    def wait(dd, semd):
        pltpu.make_async_copy(dstp.at[pl.ds(tbase, CH)], dd, semd).wait()

    fire(0, dd0, semd0)
    fire(1, dd1, semd1)

    def pair(j, carry):
        e = 2 * j
        wait(dd0, semd0)
        pltpu.sync_copy(ones_rows, acc.at[dd0], add=True)
        fire(e + 2, dd0, semd0)
        wait(dd1, semd1)
        pltpu.sync_copy(ones_rows, acc.at[dd1], add=True)
        fire(e + 3, dd1, semd1)
        return carry

    lax.fori_loop(0, NCH // 2, pair, 0)
    wait(dd0, semd0)
    wait(dd1, semd1)
    plsc.subcore_barrier()
    pltpu.sync_copy(acc.at[pl.ds(r0, ROWS_PER_TILE)],
                    out.at[pl.ds(c * N_PAD + r0, ROWS_PER_TILE)])



def _row(i):
    return (i, 0)


def _rspec():
    return pl.BlockSpec((BR, D), _row)


def _rspec_hi():
    return pl.BlockSpec((BR, D), lambda i: (i + N_PAD // BR, 0))


def _cspec():
    return pl.BlockSpec((BR, 1), _row)


def _wspec():
    return pl.BlockSpec((D, D), lambda i: (0, 0))


def _bspec():
    return pl.BlockSpec((1, D), lambda i: (0, 0))


def _pre_body(x_ref, w_ref, d0_ref, d1_ref, hh_ref):
    dinv = lax.rsqrt(d0_ref[...] + d1_ref[...] - 1.0)
    hh_ref[...] = jnp.dot(x_ref[...], w_ref[...],
                          preferred_element_type=jnp.float32) * dinv


def _pre(x, w, d0, d1):
    return pl.pallas_call(
        _pre_body,
        grid=(N_PAD // BR,),
        in_specs=[_rspec(), _wspec(), _cspec(), _cspec()],
        out_specs=_rspec(),
        out_shape=jax.ShapeDtypeStruct((N_PAD, D), jnp.float32),
    )(x, w, d0, d1)


def _combine(a0_ref, a1_ref, hh_ref, bg_ref, lng_ref, lnb_ref, d0_ref, d1_ref, h_ref):
    dinv = lax.rsqrt(d0_ref[...] + d1_ref[...] - 1.0)
    z = (a0_ref[...] + a1_ref[...] - hh_ref[...]) * dinv + bg_ref[...]
    m = jnp.mean(z, axis=1, keepdims=True)
    v = jnp.mean((z - m) ** 2, axis=1, keepdims=True)
    z = (z - m) * lax.rsqrt(v + EPS) * lng_ref[...] + lnb_ref[...]
    return jnp.maximum(z, 0.0) + h_ref[...]


def _mid_body(a0_ref, a1_ref, hh_ref, h_ref, bg_ref, lng_ref, lnb_ref, w_ref,
              d0_ref, d1_ref, h_out, hh_out):
    hn = _combine(a0_ref, a1_ref, hh_ref, bg_ref, lng_ref, lnb_ref,
                  d0_ref, d1_ref, h_ref)
    dinv = lax.rsqrt(d0_ref[...] + d1_ref[...] - 1.0)
    h_out[...] = hn
    hh_out[...] = jnp.dot(hn, w_ref[...],
                          preferred_element_type=jnp.float32) * dinv


def _mid(a0, a1, hh, h, bgr, lngr, lnbr, w, d0, d1):
    return pl.pallas_call(
        _mid_body,
        grid=(N_PAD // BR,),
        in_specs=[_rspec(), _rspec_hi(), _rspec(), _rspec(), _bspec(), _bspec(),
                  _bspec(), _wspec(), _cspec(), _cspec()],
        out_specs=(_rspec(), _rspec()),
        out_shape=(jax.ShapeDtypeStruct((N_PAD, D), jnp.float32),
                   jax.ShapeDtypeStruct((N_PAD, D), jnp.float32)),
    )(a0, a1, hh, h, bgr, lngr, lnbr, w, d0, d1)


def _fin_body(a0_ref, a1_ref, hh_ref, h_ref, bg_ref, lng_ref, lnb_ref,
              go_ref, bo_ref, wcat_ref, bcat_ref, ms_ref, d0_ref, d1_ref,
              out_ref):
    hn = _combine(a0_ref, a1_ref, hh_ref, bg_ref, lng_ref, lnb_ref,
                  d0_ref, d1_ref, h_ref)
    m = jnp.mean(hn, axis=1, keepdims=True)
    v = jnp.mean((hn - m) ** 2, axis=1, keepdims=True)
    hf = (hn - m) * lax.rsqrt(v + EPS) * go_ref[...] + bo_ref[...]
    logits = jnp.dot(hf, wcat_ref[...],
                     preferred_element_type=jnp.float32) + bcat_ref[...]
    lane = lax.broadcasted_iota(jnp.int32, (BR, D), 1)
    is_pi = lane < G
    is_mu = (lane >= G) & (lane < 2 * G)
    is_sig = (lane >= 2 * G) & (lane < 3 * G)
    neg = jnp.float32(-1e30)
    masked = jnp.where(is_pi, logits, neg)
    pmax = jnp.max(masked, axis=1, keepdims=True)
    e = jnp.exp(jnp.where(is_pi, logits - pmax, neg))
    pi = e / jnp.sum(e, axis=1, keepdims=True)
    sig = jnp.exp(jnp.where(is_sig, logits, 0.0)) + ms_ref[0, 0]
    out_ref[...] = jnp.where(is_pi, pi,
                             jnp.where(is_mu, logits,
                                       jnp.where(is_sig, sig, 0.0)))


def _fin(a0, a1, hh, h, bgr, lngr, lnbr, go, bo, wcat, bcat, ms, d0, d1):
    return pl.pallas_call(
        _fin_body,
        grid=(N_PAD // BR,),
        in_specs=[_rspec(), _rspec_hi(), _rspec(), _rspec(), _bspec(), _bspec(),
                  _bspec(), _bspec(), _bspec(), _wspec(), _bspec(),
                  pl.BlockSpec((1, 1), lambda i: (0, 0)), _cspec(), _cspec()],
        out_specs=_rspec(),
        out_shape=jax.ShapeDtypeStruct((N_PAD, D), jnp.float32),
    )(a0, a1, hh, h, bgr, lngr, lnbr, go, bo, wcat, bcat, ms, d0, d1)



def kernel(x, edge_index, Wg, bg, lng, lnb, g_out, b_out, pi_W, pi_b, mu_W,
           mu_b, sigma_W, sigma_b, min_sigma):
    x_p = jnp.pad(x, ((0, N_PAD - N), (0, 0)))
    ei = edge_index.astype(jnp.int32)
    pad = EP_ARR - E
    pad_idx = np.asarray(N + np.arange(pad) % (N_PAD - N), dtype=np.int32)
    srcp = jnp.concatenate([ei[0], pad_idx])
    dstp = jnp.concatenate([ei[1], pad_idx])

    degs = _sc_count(jnp.ones((N_PAD, CW), jnp.float32), dstp)
    d0 = degs[:N_PAD, 0:1]
    d1 = degs[N_PAD:, 0:1]

    wcat = jnp.pad(jnp.concatenate([pi_W, mu_W, sigma_W], axis=1),
                   ((0, 0), (0, D - 3 * G)))
    bcat = jnp.pad(jnp.concatenate([pi_b, mu_b, sigma_b]),
                   (0, D - 3 * G)).reshape(1, D)
    ms = jnp.reshape(min_sigma.astype(jnp.float32), (1, 1))

    h = x_p
    hh = _pre(x_p, Wg[0], d0, d1)
    for l in range(3):
        accf = _sc_scatter(hh, srcp, dstp)
        acc = (accf, accf)
        if l < 2:
            h, hh = _mid(acc[0], acc[1], hh, h, bg[l].reshape(1, D),
                         lng[l].reshape(1, D), lnb[l].reshape(1, D),
                         Wg[l + 1], d0, d1)
        else:
            head = _fin(acc[0], acc[1], hh, h, bg[2].reshape(1, D),
                        lng[2].reshape(1, D), lnb[2].reshape(1, D),
                        g_out.reshape(1, D), b_out.reshape(1, D),
                        wcat, bcat, ms, d0, d1)
    pi = head[:N, 0:G]
    mu = head[:N, G:2 * G].reshape(N, G, 1)
    sigma = head[:N, 2 * G:3 * G].reshape(N, G, 1)
    return (pi, mu, sigma)

# --- scband reference (transcript-rebuilt; emitter-appended) ---
"""Pipeline reference for scband-sem-gcn-mdn-16192026706180 (READ-ONLY COPY).

The authoritative reference and input builder live on the scoring server;
editing this copy changes nothing except your own understanding.
"""

import jax, jax.numpy as jnp
import numpy as np

N = 10000
E = 320000
D = 128
L = 3
G = 12
EPS = 1e-5


def setup_inputs(seed: int = 0) -> dict:
    key = jax.random.key(seed)
    ks = jax.random.split(key, 8)
    x = jax.random.normal(ks[0], (N, D), dtype=jnp.float32)
    edge_index = jax.random.randint(ks[1], (2, E), 0, N)

    def lin(k, shape):
        return jax.random.normal(k, shape, dtype=jnp.float32) * 0.05

    Wg = lin(ks[2], (L, D, D))
    bg = jnp.zeros((L, D), dtype=jnp.float32)
    lng = jnp.ones((L, D), dtype=jnp.float32)
    lnb = jnp.zeros((L, D), dtype=jnp.float32)
    g_out = jnp.ones((D,), dtype=jnp.float32)
    b_out = jnp.zeros((D,), dtype=jnp.float32)
    pi_W = lin(ks[3], (D, G))
    pi_b = jnp.zeros((G,), dtype=jnp.float32)
    mu_W = lin(ks[4], (D, G))
    mu_b = jnp.zeros((G,), dtype=jnp.float32)
    sigma_W = lin(ks[5], (D, G))
    sigma_b = jnp.zeros((G,), dtype=jnp.float32)
    min_sigma = jnp.asarray(0.1, dtype=jnp.float32)
    return {"x": x, "edge_index": edge_index, "Wg": Wg, "bg": bg, "lng": lng, "lnb": lnb,
            "g_out": g_out, "b_out": b_out, "pi_W": pi_W, "pi_b": pi_b, "mu_W": mu_W,
            "mu_b": mu_b, "sigma_W": sigma_W, "sigma_b": sigma_b, "min_sigma": min_sigma}


def _layer_norm(h, g, b):
    m = h.mean(axis=-1, keepdims=True)
    v = ((h - m) ** 2).mean(axis=-1, keepdims=True)
    return (h - m) / jnp.sqrt(v + EPS) * g + b


def _gcn(x, src, dst, W, b):
    n = x.shape[0]
    h = x @ W
    loop = jnp.arange(n)
    s = jnp.concatenate([src, loop])
    d = jnp.concatenate([dst, loop])
    deg = jnp.zeros((n,), h.dtype).at[d].add(1.0)
    dinv = jnp.where(deg > 0, jax.lax.rsqrt(deg), 0.0)
    norm = dinv[s] * dinv[d]
    msg = h[s] * norm[:, None]
    out = jnp.zeros_like(h).at[d].add(msg)
    return out + b


def reference(x, edge_index, Wg, bg, lng, lnb, g_out, b_out, pi_W, pi_b, mu_W, mu_b, sigma_W, sigma_b, min_sigma):
    src = edge_index[0]
    dst = edge_index[1]
    h = x
    for l in range(L):
        res = h
        z = _gcn(h, src, dst, Wg[l], bg[l])
        z = _layer_norm(z, lng[l], lnb[l])
        z = jax.nn.relu(z)
        # dropout is identity in eval mode
        h = z + res
    h = _layer_norm(h, g_out, b_out)
    pi = jax.nn.softmax(h @ pi_W + pi_b, axis=1)
    mu = (h @ mu_W + mu_b).reshape(-1, G, 1)
    sigma = jnp.exp(h @ sigma_W + sigma_b).reshape(-1, G, 1) + min_sigma
    return (pi, mu, sigma)

if __name__ == "__main__":
    import jax
    _d = setup_inputs()
    print(jax.jit(kernel)(*tuple(_d.values())))

</pallas_src>

<mosaic_0001>
#map = affine_map<(d0, d1) -> (0, 0)>
#map1 = affine_map<(d0, d1) -> (0)>
module attributes {stable_mosaic.version = 14 : i64} {
  func.func @_sc_scatter(%arg0: i32, %arg1: i32, %arg2: memref<10240x128xf32, #tpu.memory_space<hbm>>, %arg3: memref<327936xi32, #tpu.memory_space<hbm>>, %arg4: memref<327936xi32, #tpu.memory_space<hbm>>, %arg5: memref<20480x128xf32, #tpu.memory_space<hbm>>, %arg6: memref<10496xi32, #tpu.memory_space<vmem>>, %arg7: memref<128xi32, #tpu.memory_space<vmem>>, %arg8: memref<128xi32, #tpu.memory_space<vmem>>, %arg9: memref<128x128xf32, #tpu.memory_space<vmem>>, %arg10: memref<128x128xf32, #tpu.memory_space<vmem>>, %arg11: memref<10240x128xf32, #tpu.memory_space<vmem_shared>>, %arg12: memref<!tpu.dma_semaphore, #tpu.memory_space<semaphore_mem>>, %arg13: memref<!tpu.dma_semaphore, #tpu.memory_space<semaphore_mem>>, %arg14: memref<!tpu.dma_semaphore, #tpu.memory_space<semaphore_mem>>, %arg15: memref<!tpu.dma_semaphore, #tpu.memory_space<semaphore_mem>>, %arg16: memref<!tpu.dma_semaphore, #tpu.memory_space<semaphore_mem>>, %arg17: memref<!tpu.dma_semaphore, #tpu.memory_space<semaphore_mem>>) attributes {dimension_semantics = [#tpu.dimension_semantics<core_parallel>, #tpu.dimension_semantics<subcore_parallel>], iteration_bounds = array<i64: 2, 16>, scalar_prefetch = 0 : i64, scratch_operands = 12 : i64, tpu.core_type = #tpu.core_type<sc_vector_subcore>, window_params = [{transform_indices = #map}, {transform_indices = #map1}, {transform_indices = #map1}, {transform_indices = #map}]} {
    %mul3A = arith.constant 640 : i32
    %mul3A_0 = arith.muli %arg1, %mul3A : i32
    %mul3A_1 = arith.constant 16 : i32
    %mul3A_2 = arith.muli %arg0, %mul3A_1 : i32
    %add3A = arith.addi %mul3A_2, %arg1 : i32
    %mul3A_3 = arith.constant 10240 : i32
    %mul3A_4 = arith.muli %add3A, %mul3A_3 : i32
    "tpu.region"() ({
      %run_scoped3A = tpu.sem_alloc : memref<!tpu.dma_semaphore, #tpu.memory_space<semaphore_mem>>
      %dma_start3A_44 = arith.constant 0 : i32
      %dma_start3A_45 = tpu.memref_slice %arg11[%mul3A_0, %dma_start3A_44] : memref<10240x128xf32, #tpu.memory_space<vmem_shared>> -> memref<640x128xf32, #tpu.memory_space<vmem_shared>>
      %dma_start3A_46 = arith.constant 0 : i32
      %dma_start3A_47 = tpu.memref_slice %arg2[%mul3A_0, %dma_start3A_46] : memref<10240x128xf32, #tpu.memory_space<hbm>> -> memref<640x128xf32, #tpu.memory_space<hbm>>
      tpu.enqueue_dma source(%dma_start3A_47 : memref<640x128xf32, #tpu.memory_space<hbm>>) target(%dma_start3A_45 : memref<640x128xf32, #tpu.memory_space<vmem_shared>>) target_semaphore(%run_scoped3A : memref<!tpu.dma_semaphore, #tpu.memory_space<semaphore_mem>>)
      %dma_wait3A_48 = arith.constant 0 : i32
      %dma_wait3A_49 = tpu.memref_slice %arg11[%mul3A_0, %dma_wait3A_48] : memref<10240x128xf32, #tpu.memory_space<vmem_shared>> -> memref<640x128xf32, #tpu.memory_space<vmem_shared>>
      %dma_wait3A_50 = arith.constant 0 : i32
      %dma_wait3A_51 = tpu.memref_slice %arg2[%mul3A_0, %dma_wait3A_50] : memref<10240x128xf32, #tpu.memory_space<hbm>> -> memref<640x128xf32, #tpu.memory_space<hbm>>
      tpu.wait_dma2 semaphore(%run_scoped3A : memref<!tpu.dma_semaphore, #tpu.memory_space<semaphore_mem>>) src(%dma_wait3A_51 : memref<640x128xf32, #tpu.memory_space<hbm>>) dst(%dma_wait3A_49 : memref<640x128xf32, #tpu.memory_space<vmem_shared>>)
      tpu.yield
    }) : () -> ()
    "tpu.region"() ({
      %run_scoped3A = tpu.sem_alloc : memref<!tpu.dma_semaphore, #tpu.memory_space<semaphore_mem>>
      %dma_start3A_44 = tpu.memref_slice %arg3[%mul3A_4] : memref<327936xi32, #tpu.memory_space<hbm>> -> memref<10496xi32, #tpu.memory_space<hbm>>
      %dma_start3A_45 = tpu.memref_slice %arg3[%mul3A_4] : memref<327936xi32, #tpu.memory_space<hbm>> -> memref<10496xi32, #tpu.memory_space<hbm>>
      tpu.enqueue_dma source(%dma_start3A_45 : memref<10496xi32, #tpu.memory_space<hbm>>) target(%arg6 : memref<10496xi32, #tpu.memory_space<vmem>>) target_semaphore(%run_scoped3A : memref<!tpu.dma_semaphore, #tpu.memory_space<semaphore_mem>>)
      %dma_wait3A_46 = tpu.memref_slice %arg3[%mul3A_4] : memref<327936xi32, #tpu.memory_space<hbm>> -> memref<10496xi32, #tpu.memory_space<hbm>>
      %dma_wait3A_47 = tpu.memref_slice %arg3[%mul3A_4] : memref<327936xi32, #tpu.memory_space<hbm>> -> memref<10496xi32, #tpu.memory_space<hbm>>
      tpu.wait_dma2 semaphore(%run_scoped3A : memref<!tpu.dma_semaphore, #tpu.memory_space<semaphore_mem>>) src(%dma_wait3A_47 : memref<10496xi32, #tpu.memory_space<hbm>>) dst(%arg6 : memref<10496xi32, #tpu.memory_space<vmem>>)
      tpu.yield
    }) : () -> ()
    %barrier3A = arith.constant 0 : index
    tpu.barrier barrier_id(%barrier3A)
    %dma_start3A = arith.constant 0 : i32
    %dma_start3A_5 = tpu.memref_slice %arg6[%dma_start3A] : memref<10496xi32, #tpu.memory_space<vmem>> -> memref<128xi32, #tpu.memory_space<vmem>>
    %dma_start3A_6 = arith.constant 0 : i32
    %dma_start3A_7 = arith.constant 0 : i32
    %dma_start3A_8 = tpu.memref_slice %arg2[%dma_start3A_6, %dma_start3A_7] : memref<10240x128xf32, #tpu.memory_space<hbm>> -> memref<10240x128xf32, #tpu.memory_space<hbm>>
    tpu.enqueue_indirect_dma source(%dma_start3A_8 : memref<10240x128xf32, #tpu.memory_space<hbm>>) target(%arg9 : memref<128x128xf32, #tpu.memory_space<vmem>>) offsets(%dma_start3A_5 : memref<128xi32, #tpu.memory_space<vmem>>) semaphore(%arg12 : memref<!tpu.dma_semaphore, #tpu.memory_space<semaphore_mem>>)
    %add3A_9 = arith.constant 0 : i32
    %add3A_10 = arith.addi %mul3A_4, %add3A_9 : i32
    %dma_start3A_11 = tpu.memref_slice %arg4[%add3A_10] : memref<327936xi32, #tpu.memory_space<hbm>> -> memref<128xi32, #tpu.memory_space<hbm>>
    %dma_start3A_12 = tpu.memref_slice %arg4[%add3A_10] : memref<327936xi32, #tpu.memory_space<hbm>> -> memref<128xi32, #tpu.memory_space<hbm>>
    tpu.enqueue_dma source(%dma_start3A_12 : memref<128xi32, #tpu.memory_space<hbm>>) target(%arg7 : memref<128xi32, #tpu.memory_space<vmem>>) target_semaphore(%arg14 : memref<!tpu.dma_semaphore, #tpu.memory_space<semaphore_mem>>)
    %dma_start3A_13 = arith.constant 128 : i32
    %dma_start3A_14 = tpu.memref_slice %arg6[%dma_start3A_13] : memref<10496xi32, #tpu.memory_space<vmem>> -> memref<128xi32, #tpu.memory_space<vmem>>
    %dma_start3A_15 = arith.constant 0 : i32
    %dma_start3A_16 = arith.constant 0 : i32
    %dma_start3A_17 = tpu.memref_slice %arg2[%dma_start3A_15, %dma_start3A_16] : memref<10240x128xf32, #tpu.memory_space<hbm>> -> memref<10240x128xf32, #tpu.memory_space<hbm>>
    tpu.enqueue_indirect_dma source(%dma_start3A_17 : memref<10240x128xf32, #tpu.memory_space<hbm>>) target(%arg10 : memref<128x128xf32, #tpu.memory_space<vmem>>) offsets(%dma_start3A_14 : memref<128xi32, #tpu.memory_space<vmem>>) semaphore(%arg13 : memref<!tpu.dma_semaphore, #tpu.memory_space<semaphore_mem>>)
    %add3A_18 = arith.constant 128 : i32
    %add3A_19 = arith.addi %mul3A_4, %add3A_18 : i32
    %dma_start3A_20 = tpu.memref_slice %arg4[%add3A_19] : memref<327936xi32, #tpu.memory_space<hbm>> -> memref<128xi32, #tpu.memory_space<hbm>>
    %dma_start3A_21 = tpu.memref_slice %arg4[%add3A_19] : memref<327936xi32, #tpu.memory_space<hbm>> -> memref<128xi32, #tpu.memory_space<hbm>>
    tpu.enqueue_dma source(%dma_start3A_21 : memref<128xi32, #tpu.memory_space<hbm>>) target(%arg8 : memref<128xi32, #tpu.memory_space<vmem>>) target_semaphore(%arg15 : memref<!tpu.dma_semaphore, #tpu.memory_space<semaphore_mem>>)
    %scan3A = arith.constant 0 : i32
    %scan3A_22 = arith.constant 0 : i32
    %scan3A_23 = arith.constant 40 : i32
    %scan3A_24 = arith.addi %scan3A_22, %scan3A_23 : i32
    %scan3A_25 = arith.constant 1 : i32
    scf.for %scan3A_44 = %scan3A_22 to %scan3A_24 step %scan3A_25  : i32 {
      %mul3A_45 = arith.constant 2 : i32
      %mul3A_46 = arith.muli %mul3A_45, %scan3A_44 : i32
      %dma_wait3A_47 = arith.constant 0 : i32
      %dma_wait3A_48 = tpu.memref_slice %arg6[%dma_wait3A_47] : memref<10496xi32, #tpu.memory_space<vmem>> -> memref<128xi32, #tpu.memory_space<vmem>>
      %dma_wait3A_49 = arith.constant 0 : i32
      %dma_wait3A_50 = arith.constant 0 : i32
      %dma_wait3A_51 = tpu.memref_slice %arg2[%dma_wait3A_49, %dma_wait3A_50] : memref<10240x128xf32, #tpu.memory_space<hbm>> -> memref<10240x128xf32, #tpu.memory_space<hbm>>
      tpu.wait_indirect_dma semaphore(%arg12 : memref<!tpu.dma_semaphore, #tpu.memory_space<semaphore_mem>>) src(%dma_wait3A_51 : memref<10240x128xf32, #tpu.memory_space<hbm>>) dst(%arg9 : memref<128x128xf32, #tpu.memory_space<vmem>>)
      %dma_wait3A_52 = tpu.memref_slice %arg4[%mul3A_4] : memref<327936xi32, #tpu.memory_space<hbm>> -> memref<128xi32, #tpu.memory_space<hbm>>
      %dma_wait3A_53 = tpu.memref_slice %arg4[%mul3A_4] : memref<327936xi32, #tpu.memory_space<hbm>> -> memref<128xi32, #tpu.memory_space<hbm>>
      tpu.wait_dma2 semaphore(%arg14 : memref<!tpu.dma_semaphore, #tpu.memory_space<semaphore_mem>>) src(%dma_wait3A_53 : memref<128xi32, #tpu.memory_space<hbm>>) dst(%arg7 : memref<128xi32, #tpu.memory_space<vmem>>)
      "tpu.region"() ({
        %run_scoped3A = tpu.sem_alloc : memref<!tpu.dma_semaphore, #tpu.memory_space<semaphore_mem>>
        %dma_start3A_87 = arith.constant 0 : i32
        %dma_start3A_88 = arith.constant 0 : i32
        %dma_start3A_89 = tpu.memref_slice %arg11[%dma_start3A_87, %dma_start3A_88] : memref<10240x128xf32, #tpu.memory_space<vmem_shared>> -> memref<10240x128xf32, #tpu.memory_space<vmem_shared>>
        tpu.enqueue_indirect_dma source(%arg9 : memref<128x128xf32, #tpu.memory_space<vmem>>) target(%dma_start3A_89 : memref<10240x128xf32, #tpu.memory_space<vmem_shared>>) offsets(%arg7 : memref<128xi32, #tpu.memory_space<vmem>>) semaphore(%run_scoped3A : memref<!tpu.dma_semaphore, #tpu.memory_space<semaphore_mem>>) {add = true}
        %dma_wait3A_90 = arith.constant 0 : i32
        %dma_wait3A_91 = arith.constant 0 : i32
        %dma_wait3A_92 = tpu.memref_slice %arg11[%dma_wait3A_90, %dma_wait3A_91] : memref<10240x128xf32, #tpu.memory_space<vmem_shared>> -> memref<10240x128xf32, #tpu.memory_space<vmem_shared>>
        tpu.wait_indirect_dma semaphore(%run_scoped3A : memref<!tpu.dma_semaphore, #tpu.memory_space<semaphore_mem>>) src(%arg9 : memref<128x128xf32, #tpu.memory_space<vmem>>) dst(%dma_wait3A_92 : memref<10240x128xf32, #tpu.memory_space<vmem_shared>>)
        tpu.yield
      }) : () -> ()
      %add3A_54 = arith.constant 2 : i32
      %add3A_55 = arith.addi %mul3A_46, %add3A_54 : i32
      %mul3A_56 = arith.constant 128 : i32
      %mul3A_57 = arith.muli %add3A_55, %mul3A_56 : i32
      %dma_start3A_58 = tpu.memref_slice %arg6[%mul3A_57] : memref<10496xi32, #tpu.memory_space<vmem>> -> memref<128xi32, #tpu.memory_space<vmem>>
      %dma_start3A_59 = arith.constant 0 : i32
      %dma_start3A_60 = arith.constant 0 : i32
      %dma_start3A_61 = tpu.memref_slice %arg2[%dma_start3A_59, %dma_start3A_60] : memref<10240x128xf32, #tpu.memory_space<hbm>> -> memref<10240x128xf32, #tpu.memory_space<hbm>>
      tpu.enqueue_indirect_dma source(%dma_start3A_61 : memref<10240x128xf32, #tpu.memory_space<hbm>>) target(%arg9 : memref<128x128xf32, #tpu.memory_space<vmem>>) offsets(%dma_start3A_58 : memref<128xi32, #tpu.memory_space<vmem>>) semaphore(%arg12 : memref<!tpu.dma_semaphore, #tpu.memory_space<semaphore_mem>>)
      %mul3A_62 = arith.constant 128 : i32
      %mul3A_63 = arith.muli %add3A_55, %mul3A_62 : i32
      %add3A_64 = arith.addi %mul3A_4, %mul3A_63 : i32
      %dma_start3A_65 = tpu.memref_slice %arg4[%add3A_64] : memref<327936xi32, #tpu.memory_space<hbm>> -> memref<128xi32, #tpu.memory_space<hbm>>
      %dma_start3A_66 = tpu.memref_slice %arg4[%add3A_64] : memref<327936xi32, #tpu.memory_space<hbm>> -> memref<128xi32, #tpu.memory_space<hbm>>
      tpu.enqueue_dma source(%dma_start3A_66 : memref<128xi32, #tpu.memory_space<hbm>>) target(%arg7 : memref<128xi32, #tpu.memory_space<vmem>>) target_semaphore(%arg14 : memref<!tpu.dma_semaphore, #tpu.memory_space<semaphore_mem>>)
      %dma_wait3A_67 = arith.constant 0 : i32
      %dma_wait3A_68 = tpu.memref_slice %arg6[%dma_wait3A_67] : memref<10496xi32, #tpu.memory_space<vmem>> -> memref<128xi32, #tpu.memory_space<vmem>>
      %dma_wait3A_69 = arith.constant 0 : i32
      %dma_wait3A_70 = arith.constant 0 : i32
      %dma_wait3A_71 = tpu.memref_slice %arg2[%dma_wait3A_69, %dma_wait3A_70] : memref<10240x128xf32, #tpu.memory_space<hbm>> -> memref<10240x128xf32, #tpu.memory_space<hbm>>
      tpu.wait_indirect_dma semaphore(%arg13 : memref<!tpu.dma_semaphore, #tpu.memory_space<semaphore_mem>>) src(%dma_wait3A_71 : memref<10240x128xf32, #tpu.memory_space<hbm>>) dst(%arg10 : memref<128x128xf32, #tpu.memory_space<vmem>>)
      %dma_wait3A_72 = tpu.memref_slice %arg4[%mul3A_4] : memref<327936xi32, #tpu.memory_space<hbm>> -> memref<128xi32, #tpu.memory_space<hbm>>
      %dma_wait3A_73 = tpu.memref_slice %arg4[%mul3A_4] : memref<327936xi32, #tpu.memory_space<hbm>> -> memref<128xi32, #tpu.memory_space<hbm>>
      tpu.wait_dma2 semaphore(%arg15 : memref<!tpu.dma_semaphore, #tpu.memory_space<semaphore_mem>>) src(%dma_wait3A_73 : memref<128xi32, #tpu.memory_space<hbm>>) dst(%arg8 : memref<128xi32, #tpu.memory_space<vmem>>)
      "tpu.region"() ({
        %run_scoped3A = tpu.sem_alloc : memref<!tpu.dma_semaphore, #tpu.memory_space<semaphore_mem>>
        %dma_start3A_87 = arith.constant 0 : i32
        %dma_start3A_88 = arith.constant 0 : i32
        %dma_start3A_89 = tpu.memref_slice %arg11[%dma_start3A_87, %dma_start3A_88] : memref<10240x128xf32, #tpu.memory_space<vmem_shared>> -> memref<10240x128xf32, #tpu.memory_space<vmem_shared>>
        tpu.enqueue_indirect_dma source(%arg10 : memref<128x128xf32, #tpu.memory_space<vmem>>) target(%dma_start3A_89 : memref<10240x128xf32, #tpu.memory_space<vmem_shared>>) offsets(%arg8 : memref<128xi32, #tpu.memory_space<vmem>>) semaphore(%run_scoped3A : memref<!tpu.dma_semaphore, #tpu.memory_space<semaphore_mem>>) {add = true}
        %dma_wait3A_90 = arith.constant 0 : i32
        %dma_wait3A_91 = arith.constant 0 : i32
        %dma_wait3A_92 = tpu.memref_slice %arg11[%dma_wait3A_90, %dma_wait3A_91] : memref<10240x128xf32, #tpu.memory_space<vmem_shared>> -> memref<10240x128xf32, #tpu.memory_space<vmem_shared>>
        tpu.wait_indirect_dma semaphore(%run_scoped3A : memref<!tpu.dma_semaphore, #tpu.memory_space<semaphore_mem>>) src(%arg10 : memref<128x128xf32, #tpu.memory_space<vmem>>) dst(%dma_wait3A_92 : memref<10240x128xf32, #tpu.memory_space<vmem_shared>>)
        tpu.yield
      }) : () -> ()
      %add3A_74 = arith.constant 3 : i32
      %add3A_75 = arith.addi %mul3A_46, %add3A_74 : i32
      %mul3A_76 = arith.constant 128 : i32
      %mul3A_77 = arith.muli %add3A_75, %mul3A_76 : i32
      %dma_start3A_78 = tpu.memref_slice %arg6[%mul3A_77] : memref<10496xi32, #tpu.memory_space<vmem>> -> memref<128xi32, #tpu.memory_space<vmem>>
      %dma_start3A_79 = arith.constant 0 : i32
      %dma_start3A_80 = arith.constant 0 : i32
      %dma_start3A_81 = tpu.memref_slice %arg2[%dma_start3A_79, %dma_start3A_80] : memref<10240x128xf32, #tpu.memory_space<hbm>> -> memref<10240x128xf32, #tpu.memory_space<hbm>>
      tpu.enqueue_indirect_dma source(%dma_start3A_81 : memref<10240x128xf32, #tpu.memory_space<hbm>>) target(%arg10 : memref<128x128xf32, #tpu.memory_space<vmem>>) offsets(%dma_start3A_78 : memref<128xi32, #tpu.memory_space<vmem>>) semaphore(%arg13 : memref<!tpu.dma_semaphore, #tpu.memory_space<semaphore_mem>>)
      %mul3A_82 = arith.constant 128 : i32
      %mul3A_83 = arith.muli %add3A_75, %mul3A_82 : i32
      %add3A_84 = arith.addi %mul3A_4, %mul3A_83 : i32
      %dma_start3A_85 = tpu.memref_slice %arg4[%add3A_84] : memref<327936xi32, #tpu.memory_space<hbm>> -> memref<128xi32, #tpu.memory_space<hbm>>
      %dma_start3A_86 = tpu.memref_slice %arg4[%add3A_84] : memref<327936xi32, #tpu.memory_space<hbm>> -> memref<128xi32, #tpu.memory_space<hbm>>
      tpu.enqueue_dma source(%dma_start3A_86 : memref<128xi32, #tpu.memory_space<hbm>>) target(%arg8 : memref<128xi32, #tpu.memory_space<vmem>>) target_semaphore(%arg15 : memref<!tpu.dma_semaphore, #tpu.memory_space<semaphore_mem>>)
    }
    %scan3A_26 = arith.constant 40 : i32
    %dma_wait3A = arith.constant 0 : i32
    %dma_wait3A_27 = tpu.memref_slice %arg6[%dma_wait3A] : memref<10496xi32, #tpu.memory_space<vmem>> -> memref<128xi32, #tpu.memory_space<vmem>>
    %dma_wait3A_28 = arith.constant 0 : i32
    %dma_wait3A_29 = arith.constant 0 : i32
    %dma_wait3A_30 = tpu.memref_slice %arg2[%dma_wait3A_28, %dma_wait3A_29] : memref<10240x128xf32, #tpu.memory_space<hbm>> -> memref<10240x128xf32, #tpu.memory_space<hbm>>
    tpu.wait_indirect_dma semaphore(%arg12 : memref<!tpu.dma_semaphore, #tpu.memory_space<semaphore_mem>>) src(%dma_wait3A_30 : memref<10240x128xf32, #tpu.memory_space<hbm>>) dst(%arg9 : memref<128x128xf32, #tpu.memory_space<vmem>>)
    %dma_wait3A_31 = tpu.memref_slice %arg4[%mul3A_4] : memref<327936xi32, #tpu.memory_space<hbm>> -> memref<128xi32, #tpu.memory_space<hbm>>
    %dma_wait3A_32 = tpu.memref_slice %arg4[%mul3A_4] : memref<327936xi32, #tpu.memory_space<hbm>> -> memref<128xi32, #tpu.memory_space<hbm>>
    tpu.wait_dma2 semaphore(%arg14 : memref<!tpu.dma_semaphore, #tpu.memory_space<semaphore_mem>>) src(%dma_wait3A_32 : memref<128xi32, #tpu.memory_space<hbm>>) dst(%arg7 : memref<128xi32, #tpu.memory_space<vmem>>)
    %dma_wait3A_33 = arith.constant 0 : i32
    %dma_wait3A_34 = tpu.memref_slice %arg6[%dma_wait3A_33] : memref<10496xi32, #tpu.memory_space<vmem>> -> memref<128xi32, #tpu.memory_space<vmem>>
    %dma_wait3A_35 = arith.constant 0 : i32
    %dma_wait3A_36 = arith.constant 0 : i32
    %dma_wait3A_37 = tpu.memref_slice %arg2[%dma_wait3A_35, %dma_wait3A_36] : memref<10240x128xf32, #tpu.memory_space<hbm>> -> memref<10240x128xf32, #tpu.memory_space<hbm>>
    tpu.wait_indirect_dma semaphore(%arg13 : memref<!tpu.dma_semaphore, #tpu.memory_space<semaphore_mem>>) src(%dma_wait3A_37 : memref<10240x128xf32, #tpu.memory_space<hbm>>) dst(%arg10 : memref<128x128xf32, #tpu.memory_space<vmem>>)
    %dma_wait3A_38 = tpu.memref_slice %arg4[%mul3A_4] : memref<327936xi32, #tpu.memory_space<hbm>> -> memref<128xi32, #tpu.memory_space<hbm>>
    %dma_wait3A_39 = tpu.memref_slice %arg4[%mul3A_4] : memref<327936xi32, #tpu.memory_space<hbm>> -> memref<128xi32, #tpu.memory_space<hbm>>
    tpu.wait_dma2 semaphore(%arg15 : memref<!tpu.dma_semaphore, #tpu.memory_space<semaphore_mem>>) src(%dma_wait3A_39 : memref<128xi32, #tpu.memory_space<hbm>>) dst(%arg8 : memref<128xi32, #tpu.memory_space<vmem>>)
    %barrier3A_40 = arith.constant 0 : index
    tpu.barrier barrier_id(%barrier3A_40)
    %mul3A_41 = arith.constant 10240 : i32
    %mul3A_42 = arith.muli %arg0, %mul3A_41 : i32
    %add3A_43 = arith.addi %mul3A_42, %mul3A_0 : i32
    "tpu.region"() ({
      %run_scoped3A = tpu.sem_alloc : memref<!tpu.dma_semaphore, #tpu.memory_space<semaphore_mem>>
      %dma_start3A_44 = arith.constant 0 : i32
      %dma_start3A_45 = tpu.memref_slice %arg5[%add3A_43, %dma_start3A_44] : memref<20480x128xf32, #tpu.memory_space<hbm>> -> memref<640x128xf32, #tpu.memory_space<hbm>>
      %dma_start3A_46 = arith.constant 0 : i32
      %dma_start3A_47 = tpu.memref_slice %arg11[%mul3A_0, %dma_start3A_46] : memref<10240x128xf32, #tpu.memory_space<vmem_shared>> -> memref<640x128xf32, #tpu.memory_space<vmem_shared>>
      tpu.enqueue_dma source(%dma_start3A_47 : memref<640x128xf32, #tpu.memory_space<vmem_shared>>) target(%dma_start3A_45 : memref<640x128xf32, #tpu.memory_space<hbm>>) target_semaphore(%run_scoped3A : memref<!tpu.dma_semaphore, #tpu.memory_space<semaphore_mem>>)
      %dma_wait3A_48 = arith.constant 0 : i32
      %dma_wait3A_49 = tpu.memref_slice %arg5[%add3A_43, %dma_wait3A_48] : memref<20480x128xf32, #tpu.memory_space<hbm>> -> memref<640x128xf32, #tpu.memory_space<hbm>>
      %dma_wait3A_50 = arith.constant 0 : i32
      %dma_wait3A_51 = tpu.memref_slice %arg11[%mul3A_0, %dma_wait3A_50] : memref<10240x128xf32, #tpu.memory_space<vmem_shared>> -> memref<640x128xf32, #tpu.memory_space<vmem_shared>>
      tpu.wait_dma2 semaphore(%run_scoped3A : memref<!tpu.dma_semaphore, #tpu.memory_space<semaphore_mem>>) src(%dma_wait3A_51 : memref<640x128xf32, #tpu.memory_space<vmem_shared>>) dst(%dma_wait3A_49 : memref<640x128xf32, #tpu.memory_space<hbm>>)
      tpu.yield
    }) : () -> ()
    return
  }
}

#map = affine_map<(d0, d1) -> (0, 0)>
#map1 = affine_map<(d0, d1) -> (0)>
module attributes {stable_mosaic.version = 14 : i64} {
  func.func @_sc_scatter(%arg0: i32, %arg1: i32, %arg2: memref<10240x128xf32, #tpu.memory_space<hbm>>, %arg3: memref<327936xi32, #tpu.memory_space<hbm>>, %arg4: memref<327936xi32, #tpu.memory_space<hbm>>, %arg5: memref<20480x128xf32, #tpu.memory_space<hbm>>, %arg6: memref<10496xi32, #tpu.memory_space<vmem>>, %arg7: memref<128xi32, #tpu.memory_space<vmem>>, %arg8: memref<128xi32, #tpu.memory_space<vmem>>, %arg9: memref<128x128xf32, #tpu.memory_space<vmem>>, %arg10: memref<128x128xf32, #tpu.memory_space<vmem>>, %arg11: memref<10240x128xf32, #tpu.memory_space<vmem_shared>>, %arg12: memref<!tpu.dma_semaphore, #tpu.memory_space<semaphore_mem>>, %arg13: memref<!tpu.dma_semaphore, #tpu.memory_space<semaphore_mem>>, %arg14: memref<!tpu.dma_semaphore, #tpu.memory_space<semaphore_mem>>, %arg15: memref<!tpu.dma_semaphore, #tpu.memory_space<semaphore_mem>>, %arg16: memref<!tpu.dma_semaphore, #tpu.memory_space<semaphore_mem>>, %arg17: memref<!tpu.dma_semaphore, #tpu.memory_space<semaphore_mem>>) attributes {dimension_semantics = [#tpu.dimension_semantics<core_parallel>, #tpu.dimension_semantics<subcore_parallel>], iteration_bounds = array<i64: 2, 16>, scalar_prefetch = 0 : i64, scratch_operands = 12 : i64, tpu.core_type = #tpu.core_type<sc_vector_subcore>, window_params = [{transform_indices = #map}, {transform_indices = #map1}, {transform_indices = #map1}, {transform_indices = #map}]} {
    %mul3A = arith.constant 640 : i32
    %mul3A_0 = arith.muli %arg1, %mul3A : i32
    %mul3A_1 = arith.constant 16 : i32
    %mul3A_2 = arith.muli %arg0, %mul3A_1 : i32
    %add3A = arith.addi %mul3A_2, %arg1 : i32
    %mul3A_3 = arith.constant 10240 : i32
    %mul3A_4 = arith.muli %add3A, %mul3A_3 : i32
    "tpu.region"() ({
      %run_scoped3A = tpu.sem_alloc : memref<!tpu.dma_semaphore, #tpu.memory_space<semaphore_mem>>
      %dma_start3A_44 = arith.constant 0 : i32
      %dma_start3A_45 = tpu.memref_slice %arg11[%mul3A_0, %dma_start3A_44] : memref<10240x128xf32, #tpu.memory_space<vmem_shared>> -> memref<640x128xf32, #tpu.memory_space<vmem_shared>>
      %dma_start3A_46 = arith.constant 0 : i32
      %dma_start3A_47 = tpu.memref_slice %arg2[%mul3A_0, %dma_start3A_46] : memref<10240x128xf32, #tpu.memory_space<hbm>> -> memref<640x128xf32, #tpu.memory_space<hbm>>
      tpu.enqueue_dma source(%dma_start3A_47 : memref<640x128xf32, #tpu.memory_space<hbm>>) target(%dma_start3A_45 : memref<640x128xf32, #tpu.memory_space<vmem_shared>>) target_semaphore(%run_scoped3A : memref<!tpu.dma_semaphore, #tpu.memory_space<semaphore_mem>>)
      %dma_wait3A_48 = arith.constant 0 : i32
      %dma_wait3A_49 = tpu.memref_slice %arg11[%mul3A_0, %dma_wait3A_48] : memref<10240x128xf32, #tpu.memory_space<vmem_shared>> -> memref<640x128xf32, #tpu.memory_space<vmem_shared>>
      %dma_wait3A_50 = arith.constant 0 : i32
      %dma_wait3A_51 = tpu.memref_slice %arg2[%mul3A_0, %dma_wait3A_50] : memref<10240x128xf32, #tpu.memory_space<hbm>> -> memref<640x128xf32, #tpu.memory_space<hbm>>
      tpu.wait_dma2 semaphore(%run_scoped3A : memref<!tpu.dma_semaphore, #tpu.memory_space<semaphore_mem>>) src(%dma_wait3A_51 : memref<640x128xf32, #tpu.memory_space<hbm>>) dst(%dma_wait3A_49 : memref<640x128xf32, #tpu.memory_space<vmem_shared>>)
      tpu.yield
    }) : () -> ()
    "tpu.region"() ({
      %run_scoped3A = tpu.sem_alloc : memref<!tpu.dma_semaphore, #tpu.memory_space<semaphore_mem>>
      %dma_start3A_44 = tpu.memref_slice %arg3[%mul3A_4] : memref<327936xi32, #tpu.memory_space<hbm>> -> memref<10496xi32, #tpu.memory_space<hbm>>
      %dma_start3A_45 = tpu.memref_slice %arg3[%mul3A_4] : memref<327936xi32, #tpu.memory_space<hbm>> -> memref<10496xi32, #tpu.memory_space<hbm>>
      tpu.enqueue_dma source(%dma_start3A_45 : memref<10496xi32, #tpu.memory_space<hbm>>) target(%arg6 : memref<10496xi32, #tpu.memory_space<vmem>>) target_semaphore(%run_scoped3A : memref<!tpu.dma_semaphore, #tpu.memory_space<semaphore_mem>>)
      %dma_wait3A_46 = tpu.memref_slice %arg3[%mul3A_4] : memref<327936xi32, #tpu.memory_space<hbm>> -> memref<10496xi32, #tpu.memory_space<hbm>>
      %dma_wait3A_47 = tpu.memref_slice %arg3[%mul3A_4] : memref<327936xi32, #tpu.memory_space<hbm>> -> memref<10496xi32, #tpu.memory_space<hbm>>
      tpu.wait_dma2 semaphore(%run_scoped3A : memref<!tpu.dma_semaphore, #tpu.memory_space<semaphore_mem>>) src(%dma_wait3A_47 : memref<10496xi32, #tpu.memory_space<hbm>>) dst(%arg6 : memref<10496xi32, #tpu.memory_space<vmem>>)
      tpu.yield
    }) : () -> ()
    %barrier3A = arith.constant 0 : index
    tpu.barrier barrier_id(%barrier3A)
    %dma_start3A = arith.constant 0 : i32
    %dma_start3A_5 = tpu.memref_slice %arg6[%dma_start3A] : memref<10496xi32, #tpu.memory_space<vmem>> -> memref<128xi32, #tpu.memory_space<vmem>>
    %dma_start3A_6 = arith.constant 0 : i32
    %dma_start3A_7 = arith.constant 0 : i32
    %dma_start3A_8 = tpu.memref_slice %arg2[%dma_start3A_6, %dma_start3A_7] : memref<10240x128xf32, #tpu.memory_space<hbm>> -> memref<10240x128xf32, #tpu.memory_space<hbm>>
    tpu.enqueue_indirect_dma source(%dma_start3A_8 : memref<10240x128xf32, #tpu.memory_space<hbm>>) target(%arg9 : memref<128x128xf32, #tpu.memory_space<vmem>>) offsets(%dma_start3A_5 : memref<128xi32, #tpu.memory_space<vmem>>) semaphore(%arg12 : memref<!tpu.dma_semaphore, #tpu.memory_space<semaphore_mem>>)
    %add3A_9 = arith.constant 0 : i32
    %add3A_10 = arith.addi %mul3A_4, %add3A_9 : i32
    %dma_start3A_11 = tpu.memref_slice %arg4[%add3A_10] : memref<327936xi32, #tpu.memory_space<hbm>> -> memref<128xi32, #tpu.memory_space<hbm>>
    %dma_start3A_12 = tpu.memref_slice %arg4[%add3A_10] : memref<327936xi32, #tpu.memory_space<hbm>> -> memref<128xi32, #tpu.memory_space<hbm>>
    tpu.enqueue_dma source(%dma_start3A_12 : memref<128xi32, #tpu.memory_space<hbm>>) target(%arg7 : memref<128xi32, #tpu.memory_space<vmem>>) target_semaphore(%arg14 : memref<!tpu.dma_semaphore, #tpu.memory_space<semaphore_mem>>)
    %dma_start3A_13 = arith.constant 128 : i32
    %dma_start3A_14 = tpu.memref_slice %arg6[%dma_start3A_13] : memref<10496xi32, #tpu.memory_space<vmem>> -> memref<128xi32, #tpu.memory_space<vmem>>
    %dma_start3A_15 = arith.constant 0 : i32
    %dma_start3A_16 = arith.constant 0 : i32
    %dma_start3A_17 = tpu.memref_slice %arg2[%dma_start3A_15, %dma_start3A_16] : memref<10240x128xf32, #tpu.memory_space<hbm>> -> memref<10240x128xf32, #tpu.memory_space<hbm>>
    tpu.enqueue_indirect_dma source(%dma_start3A_17 : memref<10240x128xf32, #tpu.memory_space<hbm>>) target(%arg10 : memref<128x128xf32, #tpu.memory_space<vmem>>) offsets(%dma_start3A_14 : memref<128xi32, #tpu.memory_space<vmem>>) semaphore(%arg13 : memref<!tpu.dma_semaphore, #tpu.memory_space<semaphore_mem>>)
    %add3A_18 = arith.constant 128 : i32
    %add3A_19 = arith.addi %mul3A_4, %add3A_18 : i32
    %dma_start3A_20 = tpu.memref_slice %arg4[%add3A_19] : memref<327936xi32, #tpu.memory_space<hbm>> -> memref<128xi32, #tpu.memory_space<hbm>>
    %dma_start3A_21 = tpu.memref_slice %arg4[%add3A_19] : memref<327936xi32, #tpu.memory_space<hbm>> -> memref<128xi32, #tpu.memory_space<hbm>>
    tpu.enqueue_dma source(%dma_start3A_21 : memref<128xi32, #tpu.memory_space<hbm>>) target(%arg8 : memref<128xi32, #tpu.memory_space<vmem>>) target_semaphore(%arg15 : memref<!tpu.dma_semaphore, #tpu.memory_space<semaphore_mem>>)
    %scan3A = arith.constant 0 : i32
    %scan3A_22 = arith.constant 0 : i32
    %scan3A_23 = arith.constant 40 : i32
    %scan3A_24 = arith.addi %scan3A_22, %scan3A_23 : i32
    %scan3A_25 = arith.constant 1 : i32
    scf.for %scan3A_44 = %scan3A_22 to %scan3A_24 step %scan3A_25  : i32 {
      %mul3A_45 = arith.constant 2 : i32
      %mul3A_46 = arith.muli %mul3A_45, %scan3A_44 : i32
      %dma_wait3A_47 = arith.constant 0 : i32
      %dma_wait3A_48 = tpu.memref_slice %arg6[%dma_wait3A_47] : memref<10496xi32, #tpu.memory_space<vmem>> -> memref<128xi32, #tpu.memory_space<vmem>>
      %dma_wait3A_49 = arith.constant 0 : i32
      %dma_wait3A_50 = arith.constant 0 : i32
      %dma_wait3A_51 = tpu.memref_slice %arg2[%dma_wait3A_49, %dma_wait3A_50] : memref<10240x128xf32, #tpu.memory_space<hbm>> -> memref<10240x128xf32, #tpu.memory_space<hbm>>
      tpu.wait_indirect_dma semaphore(%arg12 : memref<!tpu.dma_semaphore, #tpu.memory_space<semaphore_mem>>) src(%dma_wait3A_51 : memref<10240x128xf32, #tpu.memory_space<hbm>>) dst(%arg9 : memref<128x128xf32, #tpu.memory_space<vmem>>)
      %dma_wait3A_52 = tpu.memref_slice %arg4[%mul3A_4] : memref<327936xi32, #tpu.memory_space<hbm>> -> memref<128xi32, #tpu.memory_space<hbm>>
      %dma_wait3A_53 = tpu.memref_slice %arg4[%mul3A_4] : memref<327936xi32, #tpu.memory_space<hbm>> -> memref<128xi32, #tpu.memory_space<hbm>>
      tpu.wait_dma2 semaphore(%arg14 : memref<!tpu.dma_semaphore, #tpu.memory_space<semaphore_mem>>) src(%dma_wait3A_53 : memref<128xi32, #tpu.memory_space<hbm>>) dst(%arg7 : memref<128xi32, #tpu.memory_space<vmem>>)
      "tpu.region"() ({
        %run_scoped3A = tpu.sem_alloc : memref<!tpu.dma_semaphore, #tpu.memory_space<semaphore_mem>>
        %dma_start3A_87 = arith.constant 0 : i32
        %dma_start3A_88 = arith.constant 0 : i32
        %dma_start3A_89 = tpu.memref_slice %arg11[%dma_start3A_87, %dma_start3A_88] : memref<10240x128xf32, #tpu.memory_space<vmem_shared>> -> memref<10240x128xf32, #tpu.memory_space<vmem_shared>>
        tpu.enqueue_indirect_dma source(%arg9 : memref<128x128xf32, #tpu.memory_space<vmem>>) target(%dma_start3A_89 : memref<10240x128xf32, #tpu.memory_space<vmem_shared>>) offsets(%arg7 : memref<128xi32, #tpu.memory_space<vmem>>) semaphore(%run_scoped3A : memref<!tpu.dma_semaphore, #tpu.memory_space<semaphore_mem>>) {add = true}
        %dma_wait3A_90 = arith.constant 0 : i32
        %dma_wait3A_91 = arith.constant 0 : i32
        %dma_wait3A_92 = tpu.memref_slice %arg11[%dma_wait3A_90, %dma_wait3A_91] : memref<10240x128xf32, #tpu.memory_space<vmem_shared>> -> memref<10240x128xf32, #tpu.memory_space<vmem_shared>>
        tpu.wait_indirect_dma semaphore(%run_scoped3A : memref<!tpu.dma_semaphore, #tpu.memory_space<semaphore_mem>>) src(%arg9 : memref<128x128xf32, #tpu.memory_space<vmem>>) dst(%dma_wait3A_92 : memref<10240x128xf32, #tpu.memory_space<vmem_shared>>)
        tpu.yield
      }) : () -> ()
      %add3A_54 = arith.constant 2 : i32
      %add3A_55 = arith.addi %mul3A_46, %add3A_54 : i32
      %mul3A_56 = arith.constant 128 : i32
      %mul3A_57 = arith.muli %add3A_55, %mul3A_56 : i32
      %dma_start3A_58 = tpu.memref_slice %arg6[%mul3A_57] : memref<10496xi32, #tpu.memory_space<vmem>> -> memref<128xi32, #tpu.memory_space<vmem>>
      %dma_start3A_59 = arith.constant 0 : i32
      %dma_start3A_60 = arith.constant 0 : i32
      %dma_start3A_61 = tpu.memref_slice %arg2[%dma_start3A_59, %dma_start3A_60] : memref<10240x128xf32, #tpu.memory_space<hbm>> -> memref<10240x128xf32, #tpu.memory_space<hbm>>
      tpu.enqueue_indirect_dma source(%dma_start3A_61 : memref<10240x128xf32, #tpu.memory_space<hbm>>) target(%arg9 : memref<128x128xf32, #tpu.memory_space<vmem>>) offsets(%dma_start3A_58 : memref<128xi32, #tpu.memory_space<vmem>>) semaphore(%arg12 : memref<!tpu.dma_semaphore, #tpu.memory_space<semaphore_mem>>)
      %mul3A_62 = arith.constant 128 : i32
      %mul3A_63 = arith.muli %add3A_55, %mul3A_62 : i32
      %add3A_64 = arith.addi %mul3A_4, %mul3A_63 : i32
      %dma_start3A_65 = tpu.memref_slice %arg4[%add3A_64] : memref<327936xi32, #tpu.memory_space<hbm>> -> memref<128xi32, #tpu.memory_space<hbm>>
      %dma_start3A_66 = tpu.memref_slice %arg4[%add3A_64] : memref<327936xi32, #tpu.memory_space<hbm>> -> memref<128xi32, #tpu.memory_space<hbm>>
      tpu.enqueue_dma source(%dma_start3A_66 : memref<128xi32, #tpu.memory_space<hbm>>) target(%arg7 : memref<128xi32, #tpu.memory_space<vmem>>) target_semaphore(%arg14 : memref<!tpu.dma_semaphore, #tpu.memory_space<semaphore_mem>>)
      %dma_wait3A_67 = arith.constant 0 : i32
      %dma_wait3A_68 = tpu.memref_slice %arg6[%dma_wait3A_67] : memref<10496xi32, #tpu.memory_space<vmem>> -> memref<128xi32, #tpu.memory_space<vmem>>
      %dma_wait3A_69 = arith.constant 0 : i32
      %dma_wait3A_70 = arith.constant 0 : i32
      %dma_wait3A_71 = tpu.memref_slice %arg2[%dma_wait3A_69, %dma_wait3A_70] : memref<10240x128xf32, #tpu.memory_space<hbm>> -> memref<10240x128xf32, #tpu.memory_space<hbm>>
      tpu.wait_indirect_dma semaphore(%arg13 : memref<!tpu.dma_semaphore, #tpu.memory_space<semaphore_mem>>) src(%dma_wait3A_71 : memref<10240x128xf32, #tpu.memory_space<hbm>>) dst(%arg10 : memref<128x128xf32, #tpu.memory_space<vmem>>)
      %dma_wait3A_72 = tpu.memref_slice %arg4[%mul3A_4] : memref<327936xi32, #tpu.memory_space<hbm>> -> memref<128xi32, #tpu.memory_space<hbm>>
      %dma_wait3A_73 = tpu.memref_slice %arg4[%mul3A_4] : memref<327936xi32, #tpu.memory_space<hbm>> -> memref<128xi32, #tpu.memory_space<hbm>>
      tpu.wait_dma2 semaphore(%arg15 : memref<!tpu.dma_semaphore, #tpu.memory_space<semaphore_mem>>) src(%dma_wait3A_73 : memref<128xi32, #tpu.memory_space<hbm>>) dst(%arg8 : memref<128xi32, #tpu.memory_space<vmem>>)
      "tpu.region"() ({
        %run_scoped3A = tpu.sem_alloc : memref<!tpu.dma_semaphore, #tpu.memory_space<semaphore_mem>>
        %dma_start3A_87 = arith.constant 0 : i32
        %dma_start3A_88 = arith.constant 0 : i32
        %dma_start3A_89 = tpu.memref_slice %arg11[%dma_start3A_87, %dma_start3A_88] : memref<10240x128xf32, #tpu.memory_space<vmem_shared>> -> memref<10240x128xf32, #tpu.memory_space<vmem_shared>>
        tpu.enqueue_indirect_dma source(%arg10 : memref<128x128xf32, #tpu.memory_space<vmem>>) target(%dma_start3A_89 : memref<10240x128xf32, #tpu.memory_space<vmem_shared>>) offsets(%arg8 : memref<128xi32, #tpu.memory_space<vmem>>) semaphore(%run_scoped3A : memref<!tpu.dma_semaphore, #tpu.memory_space<semaphore_mem>>) {add = true}
        %dma_wait3A_90 = arith.constant 0 : i32
        %dma_wait3A_91 = arith.constant 0 : i32
        %dma_wait3A_92 = tpu.memref_slice %arg11[%dma_wait3A_90, %dma_wait3A_91] : memref<10240x128xf32, #tpu.memory_space<vmem_shared>> -> memref<10240x128xf32, #tpu.memory_space<vmem_shared>>
        tpu.wait_indirect_dma semaphore(%run_scoped3A : memref<!tpu.dma_semaphore, #tpu.memory_space<semaphore_mem>>) src(%arg10 : memref<128x128xf32, #tpu.memory_space<vmem>>) dst(%dma_wait3A_92 : memref<10240x128xf32, #tpu.memory_space<vmem_shared>>)
        tpu.yield
      }) : () -> ()
      %add3A_74 = arith.constant 3 : i32
      %add3A_75 = arith.addi %mul3A_46, %add3A_74 : i32
      %mul3A_76 = arith.constant 128 : i32
      %mul3A_77 = arith.muli %add3A_75, %mul3A_76 : i32
      %dma_start3A_78 = tpu.memref_slice %arg6[%mul3A_77] : memref<10496xi32, #tpu.memory_space<vmem>> -> memref<128xi32, #tpu.memory_space<vmem>>
      %dma_start3A_79 = arith.constant 0 : i32
      %dma_start3A_80 = arith.constant 0 : i32
      %dma_start3A_81 = tpu.memref_slice %arg2[%dma_start3A_79, %dma_start3A_80] : memref<10240x128xf32, #tpu.memory_space<hbm>> -> memref<10240x128xf32, #tpu.memory_space<hbm>>
      tpu.enqueue_indirect_dma source(%dma_start3A_81 : memref<10240x128xf32, #tpu.memory_space<hbm>>) target(%arg10 : memref<128x128xf32, #tpu.memory_space<vmem>>) offsets(%dma_start3A_78 : memref<128xi32, #tpu.memory_space<vmem>>) semaphore(%arg13 : memref<!tpu.dma_semaphore, #tpu.memory_space<semaphore_mem>>)
      %mul3A_82 = arith.constant 128 : i32
      %mul3A_83 = arith.muli %add3A_75, %mul3A_82 : i32
      %add3A_84 = arith.addi %mul3A_4, %mul3A_83 : i32
      %dma_start3A_85 = tpu.memref_slice %arg4[%add3A_84] : memref<327936xi32, #tpu.memory_space<hbm>> -> memref<128xi32, #tpu.memory_space<hbm>>
      %dma_start3A_86 = tpu.memref_slice %arg4[%add3A_84] : memref<327936xi32, #tpu.memory_space<hbm>> -> memref<128xi32, #tpu.memory_space<hbm>>
      tpu.enqueue_dma source(%dma_start3A_86 : memref<128xi32, #tpu.memory_space<hbm>>) target(%arg8 : memref<128xi32, #tpu.memory_space<vmem>>) target_semaphore(%arg15 : memref<!tpu.dma_semaphore, #tpu.memory_space<semaphore_mem>>)
    }
    %scan3A_26 = arith.constant 40 : i32
    %dma_wait3A = arith.constant 0 : i32
    %dma_wait3A_27 = tpu.memref_slice %arg6[%dma_wait3A] : memref<10496xi32, #tpu.memory_space<vmem>> -> memref<128xi32, #tpu.memory_space<vmem>>
    %dma_wait3A_28 = arith.constant 0 : i32
    %dma_wait3A_29 = arith.constant 0 : i32
    %dma_wait3A_30 = tpu.memref_slice %arg2[%dma_wait3A_28, %dma_wait3A_29] : memref<10240x128xf32, #tpu.memory_space<hbm>> -> memref<10240x128xf32, #tpu.memory_space<hbm>>
    tpu.wait_indirect_dma semaphore(%arg12 : memref<!tpu.dma_semaphore, #tpu.memory_space<semaphore_mem>>) src(%dma_wait3A_30 : memref<10240x128xf32, #tpu.memory_space<hbm>>) dst(%arg9 : memref<128x128xf32, #tpu.memory_space<vmem>>)
    %dma_wait3A_31 = tpu.memref_slice %arg4[%mul3A_4] : memref<327936xi32, #tpu.memory_space<hbm>> -> memref<128xi32, #tpu.memory_space<hbm>>
    %dma_wait3A_32 = tpu.memref_slice %arg4[%mul3A_4] : memref<327936xi32, #tpu.memory_space<hbm>> -> memref<128xi32, #tpu.memory_space<hbm>>
    tpu.wait_dma2 semaphore(%arg14 : memref<!tpu.dma_semaphore, #tpu.memory_space<semaphore_mem>>) src(%dma_wait3A_32 : memref<128xi32, #tpu.memory_space<hbm>>) dst(%arg7 : memref<128xi32, #tpu.memory_space<vmem>>)
    %dma_wait3A_33 = arith.constant 0 : i32
    %dma_wait3A_34 = tpu.memref_slice %arg6[%dma_wait3A_33] : memref<10496xi32, #tpu.memory_space<vmem>> -> memref<128xi32, #tpu.memory_space<vmem>>
    %dma_wait3A_35 = arith.constant 0 : i32
    %dma_wait3A_36 = arith.constant 0 : i32
    %dma_wait3A_37 = tpu.memref_slice %arg2[%dma_wait3A_35, %dma_wait3A_36] : memref<10240x128xf32, #tpu.memory_space<hbm>> -> memref<10240x128xf32, #tpu.memory_space<hbm>>
    tpu.wait_indirect_dma semaphore(%arg13 : memref<!tpu.dma_semaphore, #tpu.memory_space<semaphore_mem>>) src(%dma_wait3A_37 : memref<10240x128xf32, #tpu.memory_space<hbm>>) dst(%arg10 : memref<128x128xf32, #tpu.memory_space<vmem>>)
    %dma_wait3A_38 = tpu.memref_slice %arg4[%mul3A_4] : memref<327936xi32, #tpu.memory_space<hbm>> -> memref<128xi32, #tpu.memory_space<hbm>>
    %dma_wait3A_39 = tpu.memref_slice %arg4[%mul3A_4] : memref<327936xi32, #tpu.memory_space<hbm>> -> memref<128xi32, #tpu.memory_space<hbm>>
    tpu.wait_dma2 semaphore(%arg15 : memref<!tpu.dma_semaphore, #tpu.memory_space<semaphore_mem>>) src(%dma_wait3A_39 : memref<128xi32, #tpu.memory_space<hbm>>) dst(%arg8 : memref<128xi32, #tpu.memory_space<vmem>>)
    %barrier3A_40 = arith.constant 0 : index
    tpu.barrier barrier_id(%barrier3A_40)
    %mul3A_41 = arith.constant 10240 : i32
    %mul3A_42 = arith.muli %arg0, %mul3A_41 : i32
    %add3A_43 = arith.addi %mul3A_42, %mul3A_0 : i32
    "tpu.region"() ({
      %run_scoped3A = tpu.sem_alloc : memref<!tpu.dma_semaphore, #tpu.memory_space<semaphore_mem>>
      %dma_start3A_44 = arith.constant 0 : i32
      %dma_start3A_45 = tpu.memref_slice %arg5[%add3A_43, %dma_start3A_44] : memref<20480x128xf32, #tpu.memory_space<hbm>> -> memref<640x128xf32, #tpu.memory_space<hbm>>
      %dma_start3A_46 = arith.constant 0 : i32
      %dma_start3A_47 = tpu.memref_slice %arg11[%mul3A_0, %dma_start3A_46] : memref<10240x128xf32, #tpu.memory_space<vmem_shared>> -> memref<640x128xf32, #tpu.memory_space<vmem_shared>>
      tpu.enqueue_dma source(%dma_start3A_47 : memref<640x128xf32, #tpu.memory_space<vmem_shared>>) target(%dma_start3A_45 : memref<640x128xf32, #tpu.memory_space<hbm>>) target_semaphore(%run_scoped3A : memref<!tpu.dma_semaphore, #tpu.memory_space<semaphore_mem>>)
      %dma_wait3A_48 = arith.constant 0 : i32
      %dma_wait3A_49 = tpu.memref_slice %arg5[%add3A_43, %dma_wait3A_48] : memref<20480x128xf32, #tpu.memory_space<hbm>> -> memref<640x128xf32, #tpu.memory_space<hbm>>
      %dma_wait3A_50 = arith.constant 0 : i32
      %dma_wait3A_51 = tpu.memref_slice %arg11[%mul3A_0, %dma_wait3A_50] : memref<10240x128xf32, #tpu.memory_space<vmem_shared>> -> memref<640x128xf32, #tpu.memory_space<vmem_shared>>
      tpu.wait_dma2 semaphore(%run_scoped3A : memref<!tpu.dma_semaphore, #tpu.memory_space<semaphore_mem>>) src(%dma_wait3A_51 : memref<640x128xf32, #tpu.memory_space<vmem_shared>>) dst(%dma_wait3A_49 : memref<640x128xf32, #tpu.memory_space<hbm>>)
      tpu.yield
    }) : () -> ()
    return
  }
}

#map = affine_map<(d0, d1) -> (0, 0)>
#map1 = affine_map<(d0, d1) -> (0)>
module attributes {stable_mosaic.version = 14 : i64} {
  func.func @_sc_count(%arg0: i32, %arg1: i32, %arg2: memref<10240x32xf32, #tpu.memory_space<hbm>>, %arg3: memref<327936xi32, #tpu.memory_space<hbm>>, %arg4: memref<20480x32xf32, #tpu.memory_space<hbm>>, %arg5: memref<128xi32, #tpu.memory_space<vmem>>, %arg6: memref<128xi32, #tpu.memory_space<vmem>>, %arg7: memref<128x32xf32, #tpu.memory_space<vmem>>, %arg8: memref<10240x32xf32, #tpu.memory_space<vmem_shared>>, %arg9: memref<!tpu.dma_semaphore, #tpu.memory_space<semaphore_mem>>, %arg10: memref<!tpu.dma_semaphore, #tpu.memory_space<semaphore_mem>>, %arg11: memref<!tpu.dma_semaphore, #tpu.memory_space<semaphore_mem>>, %arg12: memref<!tpu.dma_semaphore, #tpu.memory_space<semaphore_mem>>) attributes {dimension_semantics = [#tpu.dimension_semantics<core_parallel>, #tpu.dimension_semantics<subcore_parallel>], iteration_bounds = array<i64: 2, 16>, scalar_prefetch = 0 : i64, scratch_operands = 8 : i64, tpu.core_type = #tpu.core_type<sc_vector_subcore>, window_params = [{transform_indices = #map}, {transform_indices = #map1}, {transform_indices = #map}]} {
    %mul3A = arith.constant 640 : i32
    %mul3A_0 = arith.muli %arg1, %mul3A : i32
    %mul3A_1 = arith.constant 16 : i32
    %mul3A_2 = arith.muli %arg0, %mul3A_1 : i32
    %add3A = arith.addi %mul3A_2, %arg1 : i32
    %mul3A_3 = arith.constant 10240 : i32
    %mul3A_4 = arith.muli %add3A, %mul3A_3 : i32
    "tpu.region"() ({
      %run_scoped3A = tpu.sem_alloc : memref<!tpu.dma_semaphore, #tpu.memory_space<semaphore_mem>>
      %dma_start3A_24 = arith.constant 0 : i32
      %dma_start3A_25 = tpu.memref_slice %arg8[%mul3A_0, %dma_start3A_24] : memref<10240x32xf32, #tpu.memory_space<vmem_shared>> -> memref<640x32xf32, #tpu.memory_space<vmem_shared>>
      %dma_start3A_26 = arith.constant 0 : i32
      %dma_start3A_27 = tpu.memref_slice %arg2[%mul3A_0, %dma_start3A_26] : memref<10240x32xf32, #tpu.memory_space<hbm>> -> memref<640x32xf32, #tpu.memory_space<hbm>>
      tpu.enqueue_dma source(%dma_start3A_27 : memref<640x32xf32, #tpu.memory_space<hbm>>) target(%dma_start3A_25 : memref<640x32xf32, #tpu.memory_space<vmem_shared>>) target_semaphore(%run_scoped3A : memref<!tpu.dma_semaphore, #tpu.memory_space<semaphore_mem>>)
      %dma_wait3A_28 = arith.constant 0 : i32
      %dma_wait3A_29 = tpu.memref_slice %arg8[%mul3A_0, %dma_wait3A_28] : memref<10240x32xf32, #tpu.memory_space<vmem_shared>> -> memref<640x32xf32, #tpu.memory_space<vmem_shared>>
      %dma_wait3A_30 = arith.constant 0 : i32
      %dma_wait3A_31 = tpu.memref_slice %arg2[%mul3A_0, %dma_wait3A_30] : memref<10240x32xf32, #tpu.memory_space<hbm>> -> memref<640x32xf32, #tpu.memory_space<hbm>>
      tpu.wait_dma2 semaphore(%run_scoped3A : memref<!tpu.dma_semaphore, #tpu.memory_space<semaphore_mem>>) src(%dma_wait3A_31 : memref<640x32xf32, #tpu.memory_space<hbm>>) dst(%dma_wait3A_29 : memref<640x32xf32, #tpu.memory_space<vmem_shared>>)
      tpu.yield
    }) : () -> ()
    "tpu.region"() ({
      %run_scoped3A = tpu.sem_alloc : memref<!tpu.dma_semaphore, #tpu.memory_space<semaphore_mem>>
      %dma_start3A_24 = arith.constant 0 : i32
      %dma_start3A_25 = arith.constant 0 : i32
      %dma_start3A_26 = tpu.memref_slice %arg2[%dma_start3A_24, %dma_start3A_25] : memref<10240x32xf32, #tpu.memory_space<hbm>> -> memref<128x32xf32, #tpu.memory_space<hbm>>
      %dma_start3A_27 = arith.constant 0 : i32
      %dma_start3A_28 = arith.constant 0 : i32
      %dma_start3A_29 = tpu.memref_slice %arg2[%dma_start3A_27, %dma_start3A_28] : memref<10240x32xf32, #tpu.memory_space<hbm>> -> memref<128x32xf32, #tpu.memory_space<hbm>>
      tpu.enqueue_dma source(%dma_start3A_29 : memref<128x32xf32, #tpu.memory_space<hbm>>) target(%arg7 : memref<128x32xf32, #tpu.memory_space<vmem>>) target_semaphore(%run_scoped3A : memref<!tpu.dma_semaphore, #tpu.memory_space<semaphore_mem>>)
      %dma_wait3A_30 = arith.constant 0 : i32
      %dma_wait3A_31 = arith.constant 0 : i32
      %dma_wait3A_32 = tpu.memref_slice %arg2[%dma_wait3A_30, %dma_wait3A_31] : memref<10240x32xf32, #tpu.memory_space<hbm>> -> memref<128x32xf32, #tpu.memory_space<hbm>>
      %dma_wait3A_33 = arith.constant 0 : i32
      %dma_wait3A_34 = arith.constant 0 : i32
      %dma_wait3A_35 = tpu.memref_slice %arg2[%dma_wait3A_33, %dma_wait3A_34] : memref<10240x32xf32, #tpu.memory_space<hbm>> -> memref<128x32xf32, #tpu.memory_space<hbm>>
      tpu.wait_dma2 semaphore(%run_scoped3A : memref<!tpu.dma_semaphore, #tpu.memory_space<semaphore_mem>>) src(%dma_wait3A_35 : memref<128x32xf32, #tpu.memory_space<hbm>>) dst(%arg7 : memref<128x32xf32, #tpu.memory_space<vmem>>)
      tpu.yield
    }) : () -> ()
    %barrier3A = arith.constant 0 : index
    tpu.barrier barrier_id(%barrier3A)
    %add3A_5 = arith.constant 0 : i32
    %add3A_6 = arith.addi %mul3A_4, %add3A_5 : i32
    %dma_start3A = tpu.memref_slice %arg3[%add3A_6] : memref<327936xi32, #tpu.memory_space<hbm>> -> memref<128xi32, #tpu.memory_space<hbm>>
    %dma_start3A_7 = tpu.memref_slice %arg3[%add3A_6] : memref<327936xi32, #tpu.memory_space<hbm>> -> memref<128xi32, #tpu.memory_space<hbm>>
    tpu.enqueue_dma source(%dma_start3A_7 : memref<128xi32, #tpu.memory_space<hbm>>) target(%arg5 : memref<128xi32, #tpu.memory_space<vmem>>) target_semaphore(%arg9 : memref<!tpu.dma_semaphore, #tpu.memory_space<semaphore_mem>>)
    %add3A_8 = arith.constant 128 : i32
    %add3A_9 = arith.addi %mul3A_4, %add3A_8 : i32
    %dma_start3A_10 = tpu.memref_slice %arg3[%add3A_9] : memref<327936xi32, #tpu.memory_space<hbm>> -> memref<128xi32, #tpu.memory_space<hbm>>
    %dma_start3A_11 = tpu.memref_slice %arg3[%add3A_9] : memref<327936xi32, #tpu.memory_space<hbm>> -> memref<128xi32, #tpu.memory_space<hbm>>
    tpu.enqueue_dma source(%dma_start3A_11 : memref<128xi32, #tpu.memory_space<hbm>>) target(%arg6 : memref<128xi32, #tpu.memory_space<vmem>>) target_semaphore(%arg10 : memref<!tpu.dma_semaphore, #tpu.memory_space<semaphore_mem>>)
    %scan3A = arith.constant 0 : i32
    %scan3A_12 = arith.constant 0 : i32
    %scan3A_13 = arith.constant 40 : i32
    %scan3A_14 = arith.addi %scan3A_12, %scan3A_13 : i32
    %scan3A_15 = arith.constant 1 : i32
    scf.for %scan3A_24 = %scan3A_12 to %scan3A_14 step %scan3A_15  : i32 {
      %mul3A_25 = arith.constant 2 : i32
      %mul3A_26 = arith.muli %mul3A_25, %scan3A_24 : i32
      %dma_wait3A_27 = tpu.memref_slice %arg3[%mul3A_4] : memref<327936xi32, #tpu.memory_space<hbm>> -> memref<128xi32, #tpu.memory_space<hbm>>
      %dma_wait3A_28 = tpu.memref_slice %arg3[%mul3A_4] : memref<327936xi32, #tpu.memory_space<hbm>> -> memref<128xi32, #tpu.memory_space<hbm>>
      tpu.wait_dma2 semaphore(%arg9 : memref<!tpu.dma_semaphore, #tpu.memory_space<semaphore_mem>>) src(%dma_wait3A_28 : memref<128xi32, #tpu.memory_space<hbm>>) dst(%arg5 : memref<128xi32, #tpu.memory_space<vmem>>)
      "tpu.region"() ({
        %run_scoped3A = tpu.sem_alloc : memref<!tpu.dma_semaphore, #tpu.memory_space<semaphore_mem>>
        %dma_start3A_45 = arith.constant 0 : i32
        %dma_start3A_46 = arith.constant 0 : i32
        %dma_start3A_47 = tpu.memref_slice %arg8[%dma_start3A_45, %dma_start3A_46] : memref<10240x32xf32, #tpu.memory_space<vmem_shared>> -> memref<10240x32xf32, #tpu.memory_space<vmem_shared>>
        tpu.enqueue_indirect_dma source(%arg7 : memref<128x32xf32, #tpu.memory_space<vmem>>) target(%dma_start3A_47 : memref<10240x32xf32, #tpu.memory_space<vmem_shared>>) offsets(%arg5 : memref<128xi32, #tpu.memory_space<vmem>>) semaphore(%run_scoped3A : memref<!tpu.dma_semaphore, #tpu.memory_space<semaphore_mem>>) {add = true}
        %dma_wait3A_48 = arith.constant 0 : i32
        %dma_wait3A_49 = arith.constant 0 : i32
        %dma_wait3A_50 = tpu.memref_slice %arg8[%dma_wait3A_48, %dma_wait3A_49] : memref<10240x32xf32, #tpu.memory_space<vmem_shared>> -> memref<10240x32xf32, #tpu.memory_space<vmem_shared>>
        tpu.wait_indirect_dma semaphore(%run_scoped3A : memref<!tpu.dma_semaphore, #tpu.memory_space<semaphore_mem>>) src(%arg7 : memref<128x32xf32, #tpu.memory_space<vmem>>) dst(%dma_wait3A_50 : memref<10240x32xf32, #tpu.memory_space<vmem_shared>>)
        tpu.yield
      }) : () -> ()
      %add3A_29 = arith.constant 2 : i32
      %add3A_30 = arith.addi %mul3A_26, %add3A_29 : i32
      %mul3A_31 = arith.constant 128 : i32
      %mul3A_32 = arith.muli %add3A_30, %mul3A_31 : i32
      %add3A_33 = arith.addi %mul3A_4, %mul3A_32 : i32
      %dma_start3A_34 = tpu.memref_slice %arg3[%add3A_33] : memref<327936xi32, #tpu.memory_space<hbm>> -> memref<128xi32, #tpu.memory_space<hbm>>
      %dma_start3A_35 = tpu.memref_slice %arg3[%add3A_33] : memref<327936xi32, #tpu.memory_space<hbm>> -> memref<128xi32, #tpu.memory_space<hbm>>
      tpu.enqueue_dma source(%dma_start3A_35 : memref<128xi32, #tpu.memory_space<hbm>>) target(%arg5 : memref<128xi32, #tpu.memory_space<vmem>>) target_semaphore(%arg9 : memref<!tpu.dma_semaphore, #tpu.memory_space<semaphore_mem>>)
      %dma_wait3A_36 = tpu.memref_slice %arg3[%mul3A_4] : memref<327936xi32, #tpu.memory_space<hbm>> -> memref<128xi32, #tpu.memory_space<hbm>>
      %dma_wait3A_37 = tpu.memref_slice %arg3[%mul3A_4] : memref<327936xi32, #tpu.memory_space<hbm>> -> memref<128xi32, #tpu.memory_space<hbm>>
      tpu.wait_dma2 semaphore(%arg10 : memref<!tpu.dma_semaphore, #tpu.memory_space<semaphore_mem>>) src(%dma_wait3A_37 : memref<128xi32, #tpu.memory_space<hbm>>) dst(%arg6 : memref<128xi32, #tpu.memory_space<vmem>>)
      "tpu.region"() ({
        %run_scoped3A = tpu.sem_alloc : memref<!tpu.dma_semaphore, #tpu.memory_space<semaphore_mem>>
        %dma_start3A_45 = arith.constant 0 : i32
        %dma_start3A_46 = arith.constant 0 : i32
        %dma_start3A_47 = tpu.memref_slice %arg8[%dma_start3A_45, %dma_start3A_46] : memref<10240x32xf32, #tpu.memory_space<vmem_shared>> -> memref<10240x32xf32, #tpu.memory_space<vmem_shared>>
        tpu.enqueue_indirect_dma source(%arg7 : memref<128x32xf32, #tpu.memory_space<vmem>>) target(%dma_start3A_47 : memref<10240x32xf32, #tpu.memory_space<vmem_shared>>) offsets(%arg6 : memref<128xi32, #tpu.memory_space<vmem>>) semaphore(%run_scoped3A : memref<!tpu.dma_semaphore, #tpu.memory_space<semaphore_mem>>) {add = true}
        %dma_wait3A_48 = arith.constant 0 : i32
        %dma_wait3A_49 = arith.constant 0 : i32
        %dma_wait3A_50 = tpu.memref_slice %arg8[%dma_wait3A_48, %dma_wait3A_49] : memref<10240x32xf32, #tpu.memory_space<vmem_shared>> -> memref<10240x32xf32, #tpu.memory_space<vmem_shared>>
        tpu.wait_indirect_dma semaphore(%run_scoped3A : memref<!tpu.dma_semaphore, #tpu.memory_space<semaphore_mem>>) src(%arg7 : memref<128x32xf32, #tpu.memory_space<vmem>>) dst(%dma_wait3A_50 : memref<10240x32xf32, #tpu.memory_space<vmem_shared>>)
        tpu.yield
      }) : () -> ()
      %add3A_38 = arith.constant 3 : i32
      %add3A_39 = arith.addi %mul3A_26, %add3A_38 : i32
      %mul3A_40 = arith.constant 128 : i32
      %mul3A_41 = arith.muli %add3A_39, %mul3A_40 : i32
      %add3A_42 = arith.addi %mul3A_4, %mul3A_41 : i32
      %dma_start3A_43 = tpu.memref_slice %arg3[%add3A_42] : memref<327936xi32, #tpu.memory_space<hbm>> -> memref<128xi32, #tpu.memory_space<hbm>>
      %dma_start3A_44 = tpu.memref_slice %arg3[%add3A_42] : memref<327936xi32, #tpu.memory_space<hbm>> -> memref<128xi32, #tpu.memory_space<hbm>>
      tpu.enqueue_dma source(%dma_start3A_44 : memref<128xi32, #tpu.memory_space<hbm>>) target(%arg6 : memref<128xi32, #tpu.memory_space<vmem>>) target_semaphore(%arg10 : memref<!tpu.dma_semaphore, #tpu.memory_space<semaphore_mem>>)
    }
    %scan3A_16 = arith.constant 40 : i32
    %dma_wait3A = tpu.memref_slice %arg3[%mul3A_4] : memref<327936xi32, #tpu.memory_space<hbm>> -> memref<128xi32, #tpu.memory_space<hbm>>
    %dma_wait3A_17 = tpu.memref_slice %arg3[%mul3A_4] : memref<327936xi32, #tpu.memory_space<hbm>> -> memref<128xi32, #tpu.memory_space<hbm>>
    tpu.wait_dma2 semaphore(%arg9 : memref<!tpu.dma_semaphore, #tpu.memory_space<semaphore_mem>>) src(%dma_wait3A_17 : memref<128xi32, #tpu.memory_space<hbm>>) dst(%arg5 : memref<128xi32, #tpu.memory_space<vmem>>)
    %dma_wait3A_18 = tpu.memref_slice %arg3[%mul3A_4] : memref<327936xi32, #tpu.memory_space<hbm>> -> memref<128xi32, #tpu.memory_space<hbm>>
    %dma_wait3A_19 = tpu.memref_slice %arg3[%mul3A_4] : memref<327936xi32, #tpu.memory_space<hbm>> -> memref<128xi32, #tpu.memory_space<hbm>>
    tpu.wait_dma2 semaphore(%arg10 : memref<!tpu.dma_semaphore, #tpu.memory_space<semaphore_mem>>) src(%dma_wait3A_19 : memref<128xi32, #tpu.memory_space<hbm>>) dst(%arg6 : memref<128xi32, #tpu.memory_space<vmem>>)
    %barrier3A_20 = arith.constant 0 : index
    tpu.barrier barrier_id(%barrier3A_20)
    %mul3A_21 = arith.constant 10240 : i32
    %mul3A_22 = arith.muli %arg0, %mul3A_21 : i32
    %add3A_23 = arith.addi %mul3A_22, %mul3A_0 : i32
    "tpu.region"() ({
      %run_scoped3A = tpu.sem_alloc : memref<!tpu.dma_semaphore, #tpu.memory_space<semaphore_mem>>
      %dma_start3A_24 = arith.constant 0 : i32
      %dma_start3A_25 = tpu.memref_slice %arg4[%add3A_23, %dma_start3A_24] : memref<20480x32xf32, #tpu.memory_space<hbm>> -> memref<640x32xf32, #tpu.memory_space<hbm>>
      %dma_start3A_26 = arith.constant 0 : i32
      %dma_start3A_27 = tpu.memref_slice %arg8[%mul3A_0, %dma_start3A_26] : memref<10240x32xf32, #tpu.memory_space<vmem_shared>> -> memref<640x32xf32, #tpu.memory_space<vmem_shared>>
      tpu.enqueue_dma source(%dma_start3A_27 : memref<640x32xf32, #tpu.memory_space<vmem_shared>>) target(%dma_start3A_25 : memref<640x32xf32, #tpu.memory_space<hbm>>) target_semaphore(%run_scoped3A : memref<!tpu.dma_semaphore, #tpu.memory_space<semaphore_mem>>)
      %dma_wait3A_28 = arith.constant 0 : i32
      %dma_wait3A_29 = tpu.memref_slice %arg4[%add3A_23, %dma_wait3A_28] : memref<20480x32xf32, #tpu.memory_space<hbm>> -> memref<640x32xf32, #tpu.memory_space<hbm>>
      %dma_wait3A_30 = arith.constant 0 : i32
      %dma_wait3A_31 = tpu.memref_slice %arg8[%mul3A_0, %dma_wait3A_30] : memref<10240x32xf32, #tpu.memory_space<vmem_shared>> -> memref<640x32xf32, #tpu.memory_space<vmem_shared>>
      tpu.wait_dma2 semaphore(%run_scoped3A : memref<!tpu.dma_semaphore, #tpu.memory_space<semaphore_mem>>) src(%dma_wait3A_31 : memref<640x32xf32, #tpu.memory_space<vmem_shared>>) dst(%dma_wait3A_29 : memref<640x32xf32, #tpu.memory_space<hbm>>)
      tpu.yield
    }) : () -> ()
    return
  }
}

#map = affine_map<(d0, d1) -> (0, 0)>
#map1 = affine_map<(d0, d1) -> (0)>
module attributes {stable_mosaic.version = 14 : i64} {
  func.func @_sc_scatter(%arg0: i32, %arg1: i32, %arg2: memref<10240x128xf32, #tpu.memory_space<hbm>>, %arg3: memref<327936xi32, #tpu.memory_space<hbm>>, %arg4: memref<327936xi32, #tpu.memory_space<hbm>>, %arg5: memref<20480x128xf32, #tpu.memory_space<hbm>>, %arg6: memref<10496xi32, #tpu.memory_space<vmem>>, %arg7: memref<128xi32, #tpu.memory_space<vmem>>, %arg8: memref<128xi32, #tpu.memory_space<vmem>>, %arg9: memref<128x128xf32, #tpu.memory_space<vmem>>, %arg10: memref<128x128xf32, #tpu.memory_space<vmem>>, %arg11: memref<10240x128xf32, #tpu.memory_space<vmem_shared>>, %arg12: memref<!tpu.dma_semaphore, #tpu.memory_space<semaphore_mem>>, %arg13: memref<!tpu.dma_semaphore, #tpu.memory_space<semaphore_mem>>, %arg14: memref<!tpu.dma_semaphore, #tpu.memory_space<semaphore_mem>>, %arg15: memref<!tpu.dma_semaphore, #tpu.memory_space<semaphore_mem>>, %arg16: memref<!tpu.dma_semaphore, #tpu.memory_space<semaphore_mem>>, %arg17: memref<!tpu.dma_semaphore, #tpu.memory_space<semaphore_mem>>) attributes {dimension_semantics = [#tpu.dimension_semantics<core_parallel>, #tpu.dimension_semantics<subcore_parallel>], iteration_bounds = array<i64: 2, 16>, scalar_prefetch = 0 : i64, scratch_operands = 12 : i64, tpu.core_type = #tpu.core_type<sc_vector_subcore>, window_params = [{transform_indices = #map}, {transform_indices = #map1}, {transform_indices = #map1}, {transform_indices = #map}]} {
    %mul3A = arith.constant 640 : i32
    %mul3A_0 = arith.muli %arg1, %mul3A : i32
    %mul3A_1 = arith.constant 16 : i32
    %mul3A_2 = arith.muli %arg0, %mul3A_1 : i32
    %add3A = arith.addi %mul3A_2, %arg1 : i32
    %mul3A_3 = arith.constant 10240 : i32
    %mul3A_4 = arith.muli %add3A, %mul3A_3 : i32
    "tpu.region"() ({
      %run_scoped3A = tpu.sem_alloc : memref<!tpu.dma_semaphore, #tpu.memory_space<semaphore_mem>>
      %dma_start3A_44 = arith.constant 0 : i32
      %dma_start3A_45 = tpu.memref_slice %arg11[%mul3A_0, %dma_start3A_44] : memref<10240x128xf32, #tpu.memory_space<vmem_shared>> -> memref<640x128xf32, #tpu.memory_space<vmem_shared>>
      %dma_start3A_46 = arith.constant 0 : i32
      %dma_start3A_47 = tpu.memref_slice %arg2[%mul3A_0, %dma_start3A_46] : memref<10240x128xf32, #tpu.memory_space<hbm>> -> memref<640x128xf32, #tpu.memory_space<hbm>>
      tpu.enqueue_dma source(%dma_start3A_47 : memref<640x128xf32, #tpu.memory_space<hbm>>) target(%dma_start3A_45 : memref<640x128xf32, #tpu.memory_space<vmem_shared>>) target_semaphore(%run_scoped3A : memref<!tpu.dma_semaphore, #tpu.memory_space<semaphore_mem>>)
      %dma_wait3A_48 = arith.constant 0 : i32
      %dma_wait3A_49 = tpu.memref_slice %arg11[%mul3A_0, %dma_wait3A_48] : memref<10240x128xf32, #tpu.memory_space<vmem_shared>> -> memref<640x128xf32, #tpu.memory_space<vmem_shared>>
      %dma_wait3A_50 = arith.constant 0 : i32
      %dma_wait3A_51 = tpu.memref_slice %arg2[%mul3A_0, %dma_wait3A_50] : memref<10240x128xf32, #tpu.memory_space<hbm>> -> memref<640x128xf32, #tpu.memory_space<hbm>>
      tpu.wait_dma2 semaphore(%run_scoped3A : memref<!tpu.dma_semaphore, #tpu.memory_space<semaphore_mem>>) src(%dma_wait3A_51 : memref<640x128xf32, #tpu.memory_space<hbm>>) dst(%dma_wait3A_49 : memref<640x128xf32, #tpu.memory_space<vmem_shared>>)
      tpu.yield
    }) : () -> ()
    "tpu.region"() ({
      %run_scoped3A = tpu.sem_alloc : memref<!tpu.dma_semaphore, #tpu.memory_space<semaphore_mem>>
      %dma_start3A_44 = tpu.memref_slice %arg3[%mul3A_4] : memref<327936xi32, #tpu.memory_space<hbm>> -> memref<10496xi32, #tpu.memory_space<hbm>>
      %dma_start3A_45 = tpu.memref_slice %arg3[%mul3A_4] : memref<327936xi32, #tpu.memory_space<hbm>> -> memref<10496xi32, #tpu.memory_space<hbm>>
      tpu.enqueue_dma source(%dma_start3A_45 : memref<10496xi32, #tpu.memory_space<hbm>>) target(%arg6 : memref<10496xi32, #tpu.memory_space<vmem>>) target_semaphore(%run_scoped3A : memref<!tpu.dma_semaphore, #tpu.memory_space<semaphore_mem>>)
      %dma_wait3A_46 = tpu.memref_slice %arg3[%mul3A_4] : memref<327936xi32, #tpu.memory_space<hbm>> -> memref<10496xi32, #tpu.memory_space<hbm>>
      %dma_wait3A_47 = tpu.memref_slice %arg3[%mul3A_4] : memref<327936xi32, #tpu.memory_space<hbm>> -> memref<10496xi32, #tpu.memory_space<hbm>>
      tpu.wait_dma2 semaphore(%run_scoped3A : memref<!tpu.dma_semaphore, #tpu.memory_space<semaphore_mem>>) src(%dma_wait3A_47 : memref<10496xi32, #tpu.memory_space<hbm>>) dst(%arg6 : memref<10496xi32, #tpu.memory_space<vmem>>)
      tpu.yield
    }) : () -> ()
    %barrier3A = arith.constant 0 : index
    tpu.barrier barrier_id(%barrier3A)
    %dma_start3A = arith.constant 0 : i32
    %dma_start3A_5 = tpu.memref_slice %arg6[%dma_start3A] : memref<10496xi32, #tpu.memory_space<vmem>> -> memref<128xi32, #tpu.memory_space<vmem>>
    %dma_start3A_6 = arith.constant 0 : i32
    %dma_start3A_7 = arith.constant 0 : i32
    %dma_start3A_8 = tpu.memref_slice %arg2[%dma_start3A_6, %dma_start3A_7] : memref<10240x128xf32, #tpu.memory_space<hbm>> -> memref<10240x128xf32, #tpu.memory_space<hbm>>
    tpu.enqueue_indirect_dma source(%dma_start3A_8 : memref<10240x128xf32, #tpu.memory_space<hbm>>) target(%arg9 : memref<128x128xf32, #tpu.memory_space<vmem>>) offsets(%dma_start3A_5 : memref<128xi32, #tpu.memory_space<vmem>>) semaphore(%arg12 : memref<!tpu.dma_semaphore, #tpu.memory_space<semaphore_mem>>)
    %add3A_9 = arith.constant 0 : i32
    %add3A_10 = arith.addi %mul3A_4, %add3A_9 : i32
    %dma_start3A_11 = tpu.memref_slice %arg4[%add3A_10] : memref<327936xi32, #tpu.memory_space<hbm>> -> memref<128xi32, #tpu.memory_space<hbm>>
    %dma_start3A_12 = tpu.memref_slice %arg4[%add3A_10] : memref<327936xi32, #tpu.memory_space<hbm>> -> memref<128xi32, #tpu.memory_space<hbm>>
    tpu.enqueue_dma source(%dma_start3A_12 : memref<128xi32, #tpu.memory_space<hbm>>) target(%arg7 : memref<128xi32, #tpu.memory_space<vmem>>) target_semaphore(%arg14 : memref<!tpu.dma_semaphore, #tpu.memory_space<semaphore_mem>>)
    %dma_start3A_13 = arith.constant 128 : i32
    %dma_start3A_14 = tpu.memref_slice %arg6[%dma_start3A_13] : memref<10496xi32, #tpu.memory_space<vmem>> -> memref<128xi32, #tpu.memory_space<vmem>>
    %dma_start3A_15 = arith.constant 0 : i32
    %dma_start3A_16 = arith.constant 0 : i32
    %dma_start3A_17 = tpu.memref_slice %arg2[%dma_start3A_15, %dma_start3A_16] : memref<10240x128xf32, #tpu.memory_space<hbm>> -> memref<10240x128xf32, #tpu.memory_space<hbm>>
    tpu.enqueue_indirect_dma source(%dma_start3A_17 : memref<10240x128xf32, #tpu.memory_space<hbm>>) target(%arg10 : memref<128x128xf32, #tpu.memory_space<vmem>>) offsets(%dma_start3A_14 : memref<128xi32, #tpu.memory_space<vmem>>) semaphore(%arg13 : memref<!tpu.dma_semaphore, #tpu.memory_space<semaphore_mem>>)
    %add3A_18 = arith.constant 128 : i32
    %add3A_19 = arith.addi %mul3A_4, %add3A_18 : i32
    %dma_start3A_20 = tpu.memref_slice %arg4[%add3A_19] : memref<327936xi32, #tpu.memory_space<hbm>> -> memref<128xi32, #tpu.memory_space<hbm>>
    %dma_start3A_21 = tpu.memref_slice %arg4[%add3A_19] : memref<327936xi32, #tpu.memory_space<hbm>> -> memref<128xi32, #tpu.memory_space<hbm>>
    tpu.enqueue_dma source(%dma_start3A_21 : memref<128xi32, #tpu.memory_space<hbm>>) target(%arg8 : memref<128xi32, #tpu.memory_space<vmem>>) target_semaphore(%arg15 : memref<!tpu.dma_semaphore, #tpu.memory_space<semaphore_mem>>)
    %scan3A = arith.constant 0 : i32
    %scan3A_22 = arith.constant 0 : i32
    %scan3A_23 = arith.constant 40 : i32
    %scan3A_24 = arith.addi %scan3A_22, %scan3A_23 : i32
    %scan3A_25 = arith.constant 1 : i32
    scf.for %scan3A_44 = %scan3A_22 to %scan3A_24 step %scan3A_25  : i32 {
      %mul3A_45 = arith.constant 2 : i32
      %mul3A_46 = arith.muli %mul3A_45, %scan3A_44 : i32
      %dma_wait3A_47 = arith.constant 0 : i32
      %dma_wait3A_48 = tpu.memref_slice %arg6[%dma_wait3A_47] : memref<10496xi32, #tpu.memory_space<vmem>> -> memref<128xi32, #tpu.memory_space<vmem>>
      %dma_wait3A_49 = arith.constant 0 : i32
      %dma_wait3A_50 = arith.constant 0 : i32
      %dma_wait3A_51 = tpu.memref_slice %arg2[%dma_wait3A_49, %dma_wait3A_50] : memref<10240x128xf32, #tpu.memory_space<hbm>> -> memref<10240x128xf32, #tpu.memory_space<hbm>>
      tpu.wait_indirect_dma semaphore(%arg12 : memref<!tpu.dma_semaphore, #tpu.memory_space<semaphore_mem>>) src(%dma_wait3A_51 : memref<10240x128xf32, #tpu.memory_space<hbm>>) dst(%arg9 : memref<128x128xf32, #tpu.memory_space<vmem>>)
      %dma_wait3A_52 = tpu.memref_slice %arg4[%mul3A_4] : memref<327936xi32, #tpu.memory_space<hbm>> -> memref<128xi32, #tpu.memory_space<hbm>>
      %dma_wait3A_53 = tpu.memref_slice %arg4[%mul3A_4] : memref<327936xi32, #tpu.memory_space<hbm>> -> memref<128xi32, #tpu.memory_space<hbm>>
      tpu.wait_dma2 semaphore(%arg14 : memref<!tpu.dma_semaphore, #tpu.memory_space<semaphore_mem>>) src(%dma_wait3A_53 : memref<128xi32, #tpu.memory_space<hbm>>) dst(%arg7 : memref<128xi32, #tpu.memory_space<vmem>>)
      "tpu.region"() ({
        %run_scoped3A = tpu.sem_alloc : memref<!tpu.dma_semaphore, #tpu.memory_space<semaphore_mem>>
        %dma_start3A_87 = arith.constant 0 : i32
        %dma_start3A_88 = arith.constant 0 : i32
        %dma_start3A_89 = tpu.memref_slice %arg11[%dma_start3A_87, %dma_start3A_88] : memref<10240x128xf32, #tpu.memory_space<vmem_shared>> -> memref<10240x128xf32, #tpu.memory_space<vmem_shared>>
        tpu.enqueue_indirect_dma source(%arg9 : memref<128x128xf32, #tpu.memory_space<vmem>>) target(%dma_start3A_89 : memref<10240x128xf32, #tpu.memory_space<vmem_shared>>) offsets(%arg7 : memref<128xi32, #tpu.memory_space<vmem>>) semaphore(%run_scoped3A : memref<!tpu.dma_semaphore, #tpu.memory_space<semaphore_mem>>) {add = true}
        %dma_wait3A_90 = arith.constant 0 : i32
        %dma_wait3A_91 = arith.constant 0 : i32
        %dma_wait3A_92 = tpu.memref_slice %arg11[%dma_wait3A_90, %dma_wait3A_91] : memref<10240x128xf32, #tpu.memory_space<vmem_shared>> -> memref<10240x128xf32, #tpu.memory_space<vmem_shared>>
        tpu.wait_indirect_dma semaphore(%run_scoped3A : memref<!tpu.dma_semaphore, #tpu.memory_space<semaphore_mem>>) src(%arg9 : memref<128x128xf32, #tpu.memory_space<vmem>>) dst(%dma_wait3A_92 : memref<10240x128xf32, #tpu.memory_space<vmem_shared>>)
        tpu.yield
      }) : () -> ()
      %add3A_54 = arith.constant 2 : i32
      %add3A_55 = arith.addi %mul3A_46, %add3A_54 : i32
      %mul3A_56 = arith.constant 128 : i32
      %mul3A_57 = arith.muli %add3A_55, %mul3A_56 : i32
      %dma_start3A_58 = tpu.memref_slice %arg6[%mul3A_57] : memref<10496xi32, #tpu.memory_space<vmem>> -> memref<128xi32, #tpu.memory_space<vmem>>
      %dma_start3A_59 = arith.constant 0 : i32
      %dma_start3A_60 = arith.constant 0 : i32
      %dma_start3A_61 = tpu.memref_slice %arg2[%dma_start3A_59, %dma_start3A_60] : memref<10240x128xf32, #tpu.memory_space<hbm>> -> memref<10240x128xf32, #tpu.memory_space<hbm>>
      tpu.enqueue_indirect_dma source(%dma_start3A_61 : memref<10240x128xf32, #tpu.memory_space<hbm>>) target(%arg9 : memref<128x128xf32, #tpu.memory_space<vmem>>) offsets(%dma_start3A_58 : memref<128xi32, #tpu.memory_space<vmem>>) semaphore(%arg12 : memref<!tpu.dma_semaphore, #tpu.memory_space<semaphore_mem>>)
      %mul3A_62 = arith.constant 128 : i32
      %mul3A_63 = arith.muli %add3A_55, %mul3A_62 : i32
      %add3A_64 = arith.addi %mul3A_4, %mul3A_63 : i32
      %dma_start3A_65 = tpu.memref_slice %arg4[%add3A_64] : memref<327936xi32, #tpu.memory_space<hbm>> -> memref<128xi32, #tpu.memory_space<hbm>>
      %dma_start3A_66 = tpu.memref_slice %arg4[%add3A_64] : memref<327936xi32, #tpu.memory_space<hbm>> -> memref<128xi32, #tpu.memory_space<hbm>>
      tpu.enqueue_dma source(%dma_start3A_66 : memref<128xi32, #tpu.memory_space<hbm>>) target(%arg7 : memref<128xi32, #tpu.memory_space<vmem>>) target_semaphore(%arg14 : memref<!tpu.dma_semaphore, #tpu.memory_space<semaphore_mem>>)
      %dma_wait3A_67 = arith.constant 0 : i32
      %dma_wait3A_68 = tpu.memref_slice %arg6[%dma_wait3A_67] : memref<10496xi32, #tpu.memory_space<vmem>> -> memref<128xi32, #tpu.memory_space<vmem>>
      %dma_wait3A_69 = arith.constant 0 : i32
      %dma_wait3A_70 = arith.constant 0 : i32
      %dma_wait3A_71 = tpu.memref_slice %arg2[%dma_wait3A_69, %dma_wait3A_70] : memref<10240x128xf32, #tpu.memory_space<hbm>> -> memref<10240x128xf32, #tpu.memory_space<hbm>>
      tpu.wait_indirect_dma semaphore(%arg13 : memref<!tpu.dma_semaphore, #tpu.memory_space<semaphore_mem>>) src(%dma_wait3A_71 : memref<10240x128xf32, #tpu.memory_space<hbm>>) dst(%arg10 : memref<128x128xf32, #tpu.memory_space<vmem>>)
      %dma_wait3A_72 = tpu.memref_slice %arg4[%mul3A_4] : memref<327936xi32, #tpu.memory_space<hbm>> -> memref<128xi32, #tpu.memory_space<hbm>>
      %dma_wait3A_73 = tpu.memref_slice %arg4[%mul3A_4] : memref<327936xi32, #tpu.memory_space<hbm>> -> memref<128xi32, #tpu.memory_space<hbm>>
      tpu.wait_dma2 semaphore(%arg15 : memref<!tpu.dma_semaphore, #tpu.memory_space<semaphore_mem>>) src(%dma_wait3A_73 : memref<128xi32, #tpu.memory_space<hbm>>) dst(%arg8 : memref<128xi32, #tpu.memory_space<vmem>>)
      "tpu.region"() ({
        %run_scoped3A = tpu.sem_alloc : memref<!tpu.dma_semaphore, #tpu.memory_space<semaphore_mem>>
        %dma_start3A_87 = arith.constant 0 : i32
        %dma_start3A_88 = arith.constant 0 : i32
        %dma_start3A_89 = tpu.memref_slice %arg11[%dma_start3A_87, %dma_start3A_88] : memref<10240x128xf32, #tpu.memory_space<vmem_shared>> -> memref<10240x128xf32, #tpu.memory_space<vmem_shared>>
        tpu.enqueue_indirect_dma source(%arg10 : memref<128x128xf32, #tpu.memory_space<vmem>>) target(%dma_start3A_89 : memref<10240x128xf32, #tpu.memory_space<vmem_shared>>) offsets(%arg8 : memref<128xi32, #tpu.memory_space<vmem>>) semaphore(%run_scoped3A : memref<!tpu.dma_semaphore, #tpu.memory_space<semaphore_mem>>) {add = true}
        %dma_wait3A_90 = arith.constant 0 : i32
        %dma_wait3A_91 = arith.constant 0 : i32
        %dma_wait3A_92 = tpu.memref_slice %arg11[%dma_wait3A_90, %dma_wait3A_91] : memref<10240x128xf32, #tpu.memory_space<vmem_shared>> -> memref<10240x128xf32, #tpu.memory_space<vmem_shared>>
        tpu.wait_indirect_dma semaphore(%run_scoped3A : memref<!tpu.dma_semaphore, #tpu.memory_space<semaphore_mem>>) src(%arg10 : memref<128x128xf32, #tpu.memory_space<vmem>>) dst(%dma_wait3A_92 : memref<10240x128xf32, #tpu.memory_space<vmem_shared>>)
        tpu.yield
      }) : () -> ()
      %add3A_74 = arith.constant 3 : i32
      %add3A_75 = arith.addi %mul3A_46, %add3A_74 : i32
      %mul3A_76 = arith.constant 128 : i32
      %mul3A_77 = arith.muli %add3A_75, %mul3A_76 : i32
      %dma_start3A_78 = tpu.memref_slice %arg6[%mul3A_77] : memref<10496xi32, #tpu.memory_space<vmem>> -> memref<128xi32, #tpu.memory_space<vmem>>
      %dma_start3A_79 = arith.constant 0 : i32
      %dma_start3A_80 = arith.constant 0 : i32
      %dma_start3A_81 = tpu.memref_slice %arg2[%dma_start3A_79, %dma_start3A_80] : memref<10240x128xf32, #tpu.memory_space<hbm>> -> memref<10240x128xf32, #tpu.memory_space<hbm>>
      tpu.enqueue_indirect_dma source(%dma_start3A_81 : memref<10240x128xf32, #tpu.memory_space<hbm>>) target(%arg10 : memref<128x128xf32, #tpu.memory_space<vmem>>) offsets(%dma_start3A_78 : memref<128xi32, #tpu.memory_space<vmem>>) semaphore(%arg13 : memref<!tpu.dma_semaphore, #tpu.memory_space<semaphore_mem>>)
      %mul3A_82 = arith.constant 128 : i32
      %mul3A_83 = arith.muli %add3A_75, %mul3A_82 : i32
      %add3A_84 = arith.addi %mul3A_4, %mul3A_83 : i32
      %dma_start3A_85 = tpu.memref_slice %arg4[%add3A_84] : memref<327936xi32, #tpu.memory_space<hbm>> -> memref<128xi32, #tpu.memory_space<hbm>>
      %dma_start3A_86 = tpu.memref_slice %arg4[%add3A_84] : memref<327936xi32, #tpu.memory_space<hbm>> -> memref<128xi32, #tpu.memory_space<hbm>>
      tpu.enqueue_dma source(%dma_start3A_86 : memref<128xi32, #tpu.memory_space<hbm>>) target(%arg8 : memref<128xi32, #tpu.memory_space<vmem>>) target_semaphore(%arg15 : memref<!tpu.dma_semaphore, #tpu.memory_space<semaphore_mem>>)
    }
    %scan3A_26 = arith.constant 40 : i32
    %dma_wait3A = arith.constant 0 : i32
    %dma_wait3A_27 = tpu.memref_slice %arg6[%dma_wait3A] : memref<10496xi32, #tpu.memory_space<vmem>> -> memref<128xi32, #tpu.memory_space<vmem>>
    %dma_wait3A_28 = arith.constant 0 : i32
    %dma_wait3A_29 = arith.constant 0 : i32
    %dma_wait3A_30 = tpu.memref_slice %arg2[%dma_wait3A_28, %dma_wait3A_29] : memref<10240x128xf32, #tpu.memory_space<hbm>> -> memref<10240x128xf32, #tpu.memory_space<hbm>>
    tpu.wait_indirect_dma semaphore(%arg12 : memref<!tpu.dma_semaphore, #tpu.memory_space<semaphore_mem>>) src(%dma_wait3A_30 : memref<10240x128xf32, #tpu.memory_space<hbm>>) dst(%arg9 : memref<128x128xf32, #tpu.memory_space<vmem>>)
    %dma_wait3A_31 = tpu.memref_slice %arg4[%mul3A_4] : memref<327936xi32, #tpu.memory_space<hbm>> -> memref<128xi32, #tpu.memory_space<hbm>>
    %dma_wait3A_32 = tpu.memref_slice %arg4[%mul3A_4] : memref<327936xi32, #tpu.memory_space<hbm>> -> memref<128xi32, #tpu.memory_space<hbm>>
    tpu.wait_dma2 semaphore(%arg14 : memref<!tpu.dma_semaphore, #tpu.memory_space<semaphore_mem>>) src(%dma_wait3A_32 : memref<128xi32, #tpu.memory_space<hbm>>) dst(%arg7 : memref<128xi32, #tpu.memory_space<vmem>>)
    %dma_wait3A_33 = arith.constant 0 : i32
    %dma_wait3A_34 = tpu.memref_slice %arg6[%dma_wait3A_33] : memref<10496xi32, #tpu.memory_space<vmem>> -> memref<128xi32, #tpu.memory_space<vmem>>
    %dma_wait3A_35 = arith.constant 0 : i32
    %dma_wait3A_36 = arith.constant 0 : i32
    %dma_wait3A_37 = tpu.memref_slice %arg2[%dma_wait3A_35, %dma_wait3A_36] : memref<10240x128xf32, #tpu.memory_space<hbm>> -> memref<10240x128xf32, #tpu.memory_space<hbm>>
    tpu.wait_indirect_dma semaphore(%arg13 : memref<!tpu.dma_semaphore, #tpu.memory_space<semaphore_mem>>) src(%dma_wait3A_37 : memref<10240x128xf32, #tpu.memory_space<hbm>>) dst(%arg10 : memref<128x128xf32, #tpu.memory_space<vmem>>)
    %dma_wait3A_38 = tpu.memref_slice %arg4[%mul3A_4] : memref<327936xi32, #tpu.memory_space<hbm>> -> memref<128xi32, #tpu.memory_space<hbm>>
    %dma_wait3A_39 = tpu.memref_slice %arg4[%mul3A_4] : memref<327936xi32, #tpu.memory_space<hbm>> -> memref<128xi32, #tpu.memory_space<hbm>>
    tpu.wait_dma2 semaphore(%arg15 : memref<!tpu.dma_semaphore, #tpu.memory_space<semaphore_mem>>) src(%dma_wait3A_39 : memref<128xi32, #tpu.memory_space<hbm>>) dst(%arg8 : memref<128xi32, #tpu.memory_space<vmem>>)
    %barrier3A_40 = arith.constant 0 : index
    tpu.barrier barrier_id(%barrier3A_40)
    %mul3A_41 = arith.constant 10240 : i32
    %mul3A_42 = arith.muli %arg0, %mul3A_41 : i32
    %add3A_43 = arith.addi %mul3A_42, %mul3A_0 : i32
    "tpu.region"() ({
      %run_scoped3A = tpu.sem_alloc : memref<!tpu.dma_semaphore, #tpu.memory_space<semaphore_mem>>
      %dma_start3A_44 = arith.constant 0 : i32
      %dma_start3A_45 = tpu.memref_slice %arg5[%add3A_43, %dma_start3A_44] : memref<20480x128xf32, #tpu.memory_space<hbm>> -> memref<640x128xf32, #tpu.memory_space<hbm>>
      %dma_start3A_46 = arith.constant 0 : i32
      %dma_start3A_47 = tpu.memref_slice %arg11[%mul3A_0, %dma_start3A_46] : memref<10240x128xf32, #tpu.memory_space<vmem_shared>> -> memref<640x128xf32, #tpu.memory_space<vmem_shared>>
      tpu.enqueue_dma source(%dma_start3A_47 : memref<640x128xf32, #tpu.memory_space<vmem_shared>>) target(%dma_start3A_45 : memref<640x128xf32, #tpu.memory_space<hbm>>) target_semaphore(%run_scoped3A : memref<!tpu.dma_semaphore, #tpu.memory_space<semaphore_mem>>)
      %dma_wait3A_48 = arith.constant 0 : i32
      %dma_wait3A_49 = tpu.memref_slice %arg5[%add3A_43, %dma_wait3A_48] : memref<20480x128xf32, #tpu.memory_space<hbm>> -> memref<640x128xf32, #tpu.memory_space<hbm>>
      %dma_wait3A_50 = arith.constant 0 : i32
      %dma_wait3A_51 = tpu.memref_slice %arg11[%mul3A_0, %dma_wait3A_50] : memref<10240x128xf32, #tpu.memory_space<vmem_shared>> -> memref<640x128xf32, #tpu.memory_space<vmem_shared>>
      tpu.wait_dma2 semaphore(%run_scoped3A : memref<!tpu.dma_semaphore, #tpu.memory_space<semaphore_mem>>) src(%dma_wait3A_51 : memref<640x128xf32, #tpu.memory_space<vmem_shared>>) dst(%dma_wait3A_49 : memref<640x128xf32, #tpu.memory_space<hbm>>)
      tpu.yield
    }) : () -> ()
    return
  }
}

module attributes {stable_mosaic.version = 14 : i64} {
  func.func @_pre_body(%arg0: i32, %arg1: memref<1024x128xf32, #tpu.memory_space<vmem>>, %arg2: memref<128x128xf32, #tpu.memory_space<vmem>>, %arg3: memref<1024x1xf32, #tpu.memory_space<vmem>>, %arg4: memref<1024x1xf32, #tpu.memory_space<vmem>>, %arg5: memref<1024x128xf32, #tpu.memory_space<vmem>>) attributes {dimension_semantics = [#tpu.dimension_semantics<arbitrary>], iteration_bounds = array<i64: 10>, scalar_prefetch = 0 : i64, scratch_operands = 0 : i64, tpu.core_type = #tpu.core_type<tc>, window_params = [{transform_indices = @transform_0, window_bounds = array<i64: 1024, 128>}, {pipeline_mode = #tpu.pipeline_mode<synchronous>, transform_indices = @transform_1, window_bounds = array<i64: 128, 128>}, {transform_indices = @transform_2, window_bounds = array<i64: 1024, 1>}, {transform_indices = @transform_3, window_bounds = array<i64: 1024, 1>}, {transform_indices = @transform_4, window_bounds = array<i64: 1024, 128>}]} {
    %get3A = arith.constant 0 : index
    %get3A_0 = arith.constant 0 : index
    %get3A_1 = vector.load %arg3[%get3A, %get3A_0] : memref<1024x1xf32, #tpu.memory_space<vmem>>, vector<1024x1xf32>
    %get3A_2 = arith.constant 0 : index
    %get3A_3 = arith.constant 0 : index
    %get3A_4 = vector.load %arg4[%get3A_2, %get3A_3] : memref<1024x1xf32, #tpu.memory_space<vmem>>, vector<1024x1xf32>
    %add3A = arith.addf %get3A_1, %get3A_4 : vector<1024x1xf32>
    %sub3A = arith.constant 1.000000e+00 : f32
    %sub3A_5 = vector.broadcast %sub3A : f32 to vector<1024x1xf32>
    %sub3A_6 = arith.subf %add3A, %sub3A_5 : vector<1024x1xf32>
    %rsqrt3A = math.rsqrt %sub3A_6 : vector<1024x1xf32>
    %get3A_7 = arith.constant 0 : index
    %get3A_8 = arith.constant 0 : index
    %get3A_9 = vector.load %arg1[%get3A_7, %get3A_8] : memref<1024x128xf32, #tpu.memory_space<vmem>>, vector<1024x128xf32>
    %get3A_10 = arith.constant 0 : index
    %get3A_11 = arith.constant 0 : index
    %get3A_12 = vector.load %arg2[%get3A_10, %get3A_11] : memref<128x128xf32, #tpu.memory_space<vmem>>, vector<128x128xf32>
    %dot_general3A = arith.constant dense<0.000000e+00> : vector<1024x128xf32>
    %dot_general3A_13 = tpu.matmul %get3A_9, %get3A_12, %dot_general3A {dimension_numbers = #tpu.dot_dimension_numbers<[1], [0], [0], [1], [0, 0, 1, 1], [], []>, transpose_lhs_hint = false} : vector<1024x128xf32>, vector<128x128xf32>, vector<1024x128xf32> -> vector<1024x128xf32>
    %mul3A = vector.broadcast %rsqrt3A : vector<1024x1xf32> to vector<1024x128xf32>
    %mul3A_14 = arith.mulf %dot_general3A_13, %mul3A : vector<1024x128xf32>
    %swap3A = arith.constant 0 : index
    %swap3A_15 = arith.constant 0 : index
    %swap3A_16 = vector.load %arg5[%swap3A, %swap3A_15] : memref<1024x128xf32, #tpu.memory_space<vmem>>, vector<1024x128xf32>
    tpu.vector_store %arg5[%swap3A, %swap3A_15], %mul3A_14 {strides = array<i32>} : memref<1024x128xf32, #tpu.memory_space<vmem>>, vector<1024x128xf32>,
    return
  }
  func.func @transform_0(%arg0: i32) -> (i32, i32) {
    %c0_i32 = arith.constant 0 : i32
    %c0_i32_0 = arith.constant 0 : i32
    return %arg0, %c0_i32 : i32, i32
  }
  func.func @transform_1(%arg0: i32) -> (i32, i32) {
    %c0_i32 = arith.constant 0 : i32
    %c0_i32_0 = arith.constant 0 : i32
    %c0_i32_1 = arith.constant 0 : i32
    return %c0_i32, %c0_i32_0 : i32, i32
  }
  func.func @transform_2(%arg0: i32) -> (i32, i32) {
    %c0_i32 = arith.constant 0 : i32
    %c0_i32_0 = arith.constant 0 : i32
    return %arg0, %c0_i32 : i32, i32
  }
  func.func @transform_3(%arg0: i32) -> (i32, i32) {
    %c0_i32 = arith.constant 0 : i32
    %c0_i32_0 = arith.constant 0 : i32
    return %arg0, %c0_i32 : i32, i32
  }
  func.func @transform_4(%arg0: i32) -> (i32, i32) {
    %c0_i32 = arith.constant 0 : i32
    %c0_i32_0 = arith.constant 0 : i32
    return %arg0, %c0_i32 : i32, i32
  }
}

module attributes {stable_mosaic.version = 14 : i64} {
  func.func @_mid_body(%arg0: i32, %arg1: memref<1024x128xf32, #tpu.memory_space<vmem>>, %arg2: memref<1024x128xf32, #tpu.memory_space<vmem>>, %arg3: memref<1024x128xf32, #tpu.memory_space<vmem>>, %arg4: memref<1024x128xf32, #tpu.memory_space<vmem>>, %arg5: memref<1x128xf32, #tpu.memory_space<vmem>>, %arg6: memref<1x128xf32, #tpu.memory_space<vmem>>, %arg7: memref<1x128xf32, #tpu.memory_space<vmem>>, %arg8: memref<128x128xf32, #tpu.memory_space<vmem>>, %arg9: memref<1024x1xf32, #tpu.memory_space<vmem>>, %arg10: memref<1024x1xf32, #tpu.memory_space<vmem>>, %arg11: memref<1024x128xf32, #tpu.memory_space<vmem>>, %arg12: memref<1024x128xf32, #tpu.memory_space<vmem>>) attributes {dimension_semantics = [#tpu.dimension_semantics<arbitrary>], iteration_bounds = array<i64: 10>, scalar_prefetch = 0 : i64, scratch_operands = 0 : i64, tpu.core_type = #tpu.core_type<tc>, window_params = [{transform_indices = @transform_0, window_bounds = array<i64: 1024, 128>}, {transform_indices = @transform_1, window_bounds = array<i64: 1024, 128>}, {transform_indices = @transform_2, window_bounds = array<i64: 1024, 128>}, {transform_indices = @transform_3, window_bounds = array<i64: 1024, 128>}, {pipeline_mode = #tpu.pipeline_mode<synchronous>, transform_indices = @transform_4, window_bounds = array<i64: 1, 128>}, {pipeline_mode = #tpu.pipeline_mode<synchronous>, transform_indices = @transform_5, window_bounds = array<i64: 1, 128>}, {pipeline_mode = #tpu.pipeline_mode<synchronous>, transform_indices = @transform_6, window_bounds = array<i64: 1, 128>}, {pipeline_mode = #tpu.pipeline_mode<synchronous>, transform_indices = @transform_7, window_bounds = array<i64: 128, 128>}, {transform_indices = @transform_8, window_bounds = array<i64: 1024, 1>}, {transform_indices = @transform_9, window_bounds = array<i64: 1024, 1>}, {transform_indices = @transform_10, window_bounds = array<i64: 1024, 128>}, {transform_indices = @transform_11, window_bounds = array<i64: 1024, 128>}]} {
    %get3A = arith.constant 0 : index
    %get3A_0 = arith.constant 0 : index
    %get3A_1 = vector.load %arg9[%get3A, %get3A_0] : memref<1024x1xf32, #tpu.memory_space<vmem>>, vector<1024x1xf32>
    %get3A_2 = arith.constant 0 : index
    %get3A_3 = arith.constant 0 : index
    %get3A_4 = vector.load %arg10[%get3A_2, %get3A_3] : memref<1024x1xf32, #tpu.memory_space<vmem>>, vector<1024x1xf32>
    %add3A = arith.addf %get3A_1, %get3A_4 : vector<1024x1xf32>
    %sub3A = arith.constant 1.000000e+00 : f32
    %sub3A_5 = vector.broadcast %sub3A : f32 to vector<1024x1xf32>
    %sub3A_6 = arith.subf %add3A, %sub3A_5 : vector<1024x1xf32>
    %rsqrt3A = math.rsqrt %sub3A_6 : vector<1024x1xf32>
    %get3A_7 = arith.constant 0 : index
    %get3A_8 = arith.constant 0 : index
    %get3A_9 = vector.load %arg1[%get3A_7, %get3A_8] : memref<1024x128xf32, #tpu.memory_space<vmem>>, vector<1024x128xf32>
    %get3A_10 = arith.constant 0 : index
    %get3A_11 = arith.constant 0 : index
    %get3A_12 = vector.load %arg2[%get3A_10, %get3A_11] : memref<1024x128xf32, #tpu.memory_space<vmem>>, vector<1024x128xf32>
    %add3A_13 = arith.addf %get3A_9, %get3A_12 : vector<1024x128xf32>
    %get3A_14 = arith.constant 0 : index
    %get3A_15 = arith.constant 0 : index
    %get3A_16 = vector.load %arg3[%get3A_14, %get3A_15] : memref<1024x128xf32, #tpu.memory_space<vmem>>, vector<1024x128xf32>
    %sub3A_17 = arith.subf %add3A_13, %get3A_16 : vector<1024x128xf32>
    %mul3A = vector.broadcast %rsqrt3A : vector<1024x1xf32> to vector<1024x128xf32>
    %mul3A_18 = arith.mulf %sub3A_17, %mul3A : vector<1024x128xf32>
    %get3A_19 = arith.constant 0 : index
    %get3A_20 = arith.constant 0 : index
    %get3A_21 = vector.load %arg5[%get3A_19, %get3A_20] : memref<1x128xf32, #tpu.memory_space<vmem>>, vector<1x128xf32>
    %add3A_22 = vector.broadcast %get3A_21 : vector<1x128xf32> to vector<1024x128xf32>
    %add3A_23 = arith.addf %mul3A_18, %add3A_22 : vector<1024x128xf32>
    %reduce_sum3A = arith.constant dense<0.000000e+00> : vector<1024xf32>
    %reduce_sum3A_24 = vector.multi_reduction <add>, %add3A_23, %reduce_sum3A [1] : vector<1024x128xf32> to vector<1024xf32>
    %broadcast_in_dim3A = vector.shape_cast %reduce_sum3A_24 : vector<1024xf32> to vector<1024x1xf32>
    %div3A = arith.constant 1.280000e+02 : f32
    %div3A_25 = vector.broadcast %div3A : f32 to vector<1024x1xf32>
    %div3A_26 = arith.divf %broadcast_in_dim3A, %div3A_25 : vector<1024x1xf32>
    %sub3A_27 = vector.broadcast %div3A_26 : vector<1024x1xf32> to vector<1024x128xf32>
    %sub3A_28 = arith.subf %add3A_23, %sub3A_27 : vector<1024x128xf32>
    %integer_pow3A = arith.mulf %sub3A_28, %sub3A_28 : vector<1024x128xf32>
    %reduce_sum3A_29 = arith.constant dense<0.000000e+00> : vector<1024xf32>
    %reduce_sum3A_30 = vector.multi_reduction <add>, %integer_pow3A, %reduce_sum3A_29 [1] : vector<1024x128xf32> to vector<1024xf32>
    %broadcast_in_dim3A_31 = vector.shape_cast %reduce_sum3A_30 : vector<1024xf32> to vector<1024x1xf32>
    %div3A_32 = arith.constant 1.280000e+02 : f32
    %div3A_33 = vector.broadcast %div3A_32 : f32 to vector<1024x1xf32>
    %div3A_34 = arith.divf %broadcast_in_dim3A_31, %div3A_33 : vector<1024x1xf32>
    %sub3A_35 = vector.broadcast %div3A_26 : vector<1024x1xf32> to vector<1024x128xf32>
    %sub3A_36 = arith.subf %add3A_23, %sub3A_35 : vector<1024x128xf32>
    %add3A_37 = arith.constant 9.99999974E-6 : f32
    %add3A_38 = vector.broadcast %add3A_37 : f32 to vector<1024x1xf32>
    %add3A_39 = arith.addf %div3A_34, %add3A_38 : vector<1024x1xf32>
    %rsqrt3A_40 = math.rsqrt %add3A_39 : vector<1024x1xf32>
    %mul3A_41 = vector.broadcast %rsqrt3A_40 : vector<1024x1xf32> to vector<1024x128xf32>
    %mul3A_42 = arith.mulf %sub3A_36, %mul3A_41 : vector<1024x128xf32>
    %get3A_43 = arith.constant 0 : index
    %get3A_44 = arith.constant 0 : index
    %get3A_45 = vector.load %arg6[%get3A_43, %get3A_44] : memref<1x128xf32, #tpu.memory_space<vmem>>, vector<1x128xf32>
    %mul3A_46 = vector.broadcast %get3A_45 : vector<1x128xf32> to vector<1024x128xf32>
    %mul3A_47 = arith.mulf %mul3A_42, %mul3A_46 : vector<1024x128xf32>
    %get3A_48 = arith.constant 0 : index
    %get3A_49 = arith.constant 0 : index
    %get3A_50 = vector.load %arg7[%get3A_48, %get3A_49] : memref<1x128xf32, #tpu.memory_space<vmem>>, vector<1x128xf32>
    %add3A_51 = vector.broadcast %get3A_50 : vector<1x128xf32> to vector<1024x128xf32>
    %add3A_52 = arith.addf %mul3A_47, %add3A_51 : vector<1024x128xf32>
    %max3A = arith.constant 0.000000e+00 : f32
    %max3A_53 = vector.broadcast %max3A : f32 to vector<1024x128xf32>
    %max3A_54 = arith.maximumf %add3A_52, %max3A_53 : vector<1024x128xf32>
    %get3A_55 = arith.constant 0 : index
    %get3A_56 = arith.constant 0 : index
    %get3A_57 = vector.load %arg4[%get3A_55, %get3A_56] : memref<1024x128xf32, #tpu.memory_space<vmem>>, vector<1024x128xf32>
    %add3A_58 = arith.addf %max3A_54, %get3A_57 : vector<1024x128xf32>
    %get3A_59 = arith.constant 0 : index
    %get3A_60 = arith.constant 0 : index
    %get3A_61 = vector.load %arg9[%get3A_59, %get3A_60] : memref<1024x1xf32, #tpu.memory_space<vmem>>, vector<1024x1xf32>
    %get3A_62 = arith.constant 0 : index
    %get3A_63 = arith.constant 0 : index
    %get3A_64 = vector.load %arg10[%get3A_62, %get3A_63] : memref<1024x1xf32, #tpu.memory_space<vmem>>, vector<1024x1xf32>
    %add3A_65 = arith.addf %get3A_61, %get3A_64 : vector<1024x1xf32>
    %sub3A_66 = arith.constant 1.000000e+00 : f32
    %sub3A_67 = vector.broadcast %sub3A_66 : f32 to vector<1024x1xf32>
    %sub3A_68 = arith.subf %add3A_65, %sub3A_67 : vector<1024x1xf32>
    %rsqrt3A_69 = math.rsqrt %sub3A_68 : vector<1024x1xf32>
    %swap3A = arith.constant 0 : index
    %swap3A_70 = arith.constant 0 : index
    %swap3A_71 = vector.load %arg11[%swap3A, %swap3A_70] : memref<1024x128xf32, #tpu.memory_space<vmem>>, vector<1024x128xf32>
    tpu.vector_store %arg11[%swap3A, %swap3A_70], %add3A_58 {strides = array<i32>} : memref<1024x128xf32, #tpu.memory_space<vmem>>, vector<1024x128xf32>,
    %get3A_72 = arith.constant 0 : index
    %get3A_73 = arith.constant 0 : index
    %get3A_74 = vector.load %arg8[%get3A_72, %get3A_73] : memref<128x128xf32, #tpu.memory_space<vmem>>, vector<128x128xf32>
    %dot_general3A = arith.constant dense<0.000000e+00> : vector<1024x128xf32>
    %dot_general3A_75 = tpu.matmul %add3A_58, %get3A_74, %dot_general3A {dimension_numbers = #tpu.dot_dimension_numbers<[1], [0], [0], [1], [0, 0, 1, 1], [], []>, transpose_lhs_hint = false} : vector<1024x128xf32>, vector<128x128xf32>, vector<1024x128xf32> -> vector<1024x128xf32>
    %mul3A_76 = vector.broadcast %rsqrt3A_69 : vector<1024x1xf32> to vector<1024x128xf32>
    %mul3A_77 = arith.mulf %dot_general3A_75, %mul3A_76 : vector<1024x128xf32>
    %swap3A_78 = arith.constant 0 : index
    %swap3A_79 = arith.constant 0 : index
    %swap3A_80 = vector.load %arg12[%swap3A_78, %swap3A_79] : memref<1024x128xf32, #tpu.memory_space<vmem>>, vector<1024x128xf32>
    tpu.vector_store %arg12[%swap3A_78, %swap3A_79], %mul3A_77 {strides = array<i32>} : memref<1024x128xf32, #tpu.memory_space<vmem>>, vector<1024x128xf32>,
    return
  }
  func.func @transform_0(%arg0: i32) -> (i32, i32) {
    %c0_i32 = arith.constant 0 : i32
    %c0_i32_0 = arith.constant 0 : i32
    return %arg0, %c0_i32 : i32, i32
  }
  func.func @transform_1(%arg0: i32) -> (i32, i32) {
    %add3A = arith.constant 10 : i32
    %add3A_0 = arith.addi %arg0, %add3A : i32
    %c0_i32 = arith.constant 0 : i32
    %c0_i32_1 = arith.constant 0 : i32
    return %add3A_0, %c0_i32 : i32, i32
  }
  func.func @transform_2(%arg0: i32) -> (i32, i32) {
    %c0_i32 = arith.constant 0 : i32
    %c0_i32_0 = arith.constant 0 : i32
    return %arg0, %c0_i32 : i32, i32
  }
  func.func @transform_3(%arg0: i32) -> (i32, i32) {
    %c0_i32 = arith.constant 0 : i32
    %c0_i32_0 = arith.constant 0 : i32
    return %arg0, %c0_i32 : i32, i32
  }
  func.func @transform_4(%arg0: i32) -> (i32, i32) {
    %c0_i32 = arith.constant 0 : i32
    %c0_i32_0 = arith.constant 0 : i32
    %c0_i32_1 = arith.constant 0 : i32
    return %c0_i32, %c0_i32_0 : i32, i32
  }
  func.func @transform_5(%arg0: i32) -> (i32, i32) {
    %c0_i32 = arith.constant 0 : i32
    %c0_i32_0 = arith.constant 0 : i32
    %c0_i32_1 = arith.constant 0 : i32
    return %c0_i32, %c0_i32_0 : i32, i32
  }
  func.func @transform_6(%arg0: i32) -> (i32, i32) {
    %c0_i32 = arith.constant 0 : i32
    %c0_i32_0 = arith.constant 0 : i32
    %c0_i32_1 = arith.constant 0 : i32
    return %c0_i32, %c0_i32_0 : i32, i32
  }
  func.func @transform_7(%arg0: i32) -> (i32, i32) {
    %c0_i32 = arith.constant 0 : i32
    %c0_i32_0 = arith.constant 0 : i32
    %c0_i32_1 = arith.constant 0 : i32
    return %c0_i32, %c0_i32_0 : i32, i32
  }
  func.func @transform_8(%arg0: i32) -> (i32, i32) {
    %c0_i32 = arith.constant 0 : i32
    %c0_i32_0 = arith.constant 0 : i32
    return %arg0, %c0_i32 : i32, i32
  }
  func.func @transform_9(%arg0: i32) -> (i32, i32) {
    %c0_i32 = arith.constant 0 : i32
    %c0_i32_0 = arith.constant 0 : i32
    return %arg0, %c0_i32 : i32, i32
  }
  func.func @transform_10(%arg0: i32) -> (i32, i32) {
    %c0_i32 = arith.constant 0 : i32
    %c0_i32_0 = arith.constant 0 : i32
    return %arg0, %c0_i32 : i32, i32
  }
  func.func @transform_11(%arg0: i32) -> (i32, i32) {
    %c0_i32 = arith.constant 0 : i32
    %c0_i32_0 = arith.constant 0 : i32
    return %arg0, %c0_i32 : i32, i32
  }
}

module attributes {stable_mosaic.version = 14 : i64} {
  func.func @_fin_body(%arg0: i32, %arg1: memref<1024x128xf32, #tpu.memory_space<vmem>>, %arg2: memref<1024x128xf32, #tpu.memory_space<vmem>>, %arg3: memref<1024x128xf32, #tpu.memory_space<vmem>>, %arg4: memref<1024x128xf32, #tpu.memory_space<vmem>>, %arg5: memref<1x128xf32, #tpu.memory_space<vmem>>, %arg6: memref<1x128xf32, #tpu.memory_space<vmem>>, %arg7: memref<1x128xf32, #tpu.memory_space<vmem>>, %arg8: memref<1x128xf32, #tpu.memory_space<vmem>>, %arg9: memref<1x128xf32, #tpu.memory_space<vmem>>, %arg10: memref<128x128xf32, #tpu.memory_space<vmem>>, %arg11: memref<1x128xf32, #tpu.memory_space<vmem>>, %arg12: memref<1x1xf32, #tpu.memory_space<vmem>>, %arg13: memref<1024x1xf32, #tpu.memory_space<vmem>>, %arg14: memref<1024x1xf32, #tpu.memory_space<vmem>>, %arg15: memref<1024x128xf32, #tpu.memory_space<vmem>>) attributes {dimension_semantics = [#tpu.dimension_semantics<arbitrary>], iteration_bounds = array<i64: 10>, scalar_prefetch = 0 : i64, scratch_operands = 0 : i64, tpu.core_type = #tpu.core_type<tc>, window_params = [{transform_indices = @transform_0, window_bounds = array<i64: 1024, 128>}, {transform_indices = @transform_1, window_bounds = array<i64: 1024, 128>}, {transform_indices = @transform_2, window_bounds = array<i64: 1024, 128>}, {transform_indices = @transform_3, window_bounds = array<i64: 1024, 128>}, {pipeline_mode = #tpu.pipeline_mode<synchronous>, transform_indices = @transform_4, window_bounds = array<i64: 1, 128>}, {pipeline_mode = #tpu.pipeline_mode<synchronous>, transform_indices = @transform_5, window_bounds = array<i64: 1, 128>}, {pipeline_mode = #tpu.pipeline_mode<synchronous>, transform_indices = @transform_6, window_bounds = array<i64: 1, 128>}, {pipeline_mode = #tpu.pipeline_mode<synchronous>, transform_indices = @transform_7, window_bounds = array<i64: 1, 128>}, {pipeline_mode = #tpu.pipeline_mode<synchronous>, transform_indices = @transform_8, window_bounds = array<i64: 1, 128>}, {pipeline_mode = #tpu.pipeline_mode<synchronous>, transform_indices = @transform_9, window_bounds = array<i64: 128, 128>}, {pipeline_mode = #tpu.pipeline_mode<synchronous>, transform_indices = @transform_10, window_bounds = array<i64: 1, 128>}, {pipeline_mode = #tpu.pipeline_mode<synchronous>, transform_indices = @transform_11, window_bounds = array<i64: 1, 1>}, {transform_indices = @transform_12, window_bounds = array<i64: 1024, 1>}, {transform_indices = @transform_13, window_bounds = array<i64: 1024, 1>}, {transform_indices = @transform_14, window_bounds = array<i64: 1024, 128>}]} {
    %get3A = arith.constant 0 : index
    %get3A_0 = arith.constant 0 : index
    %get3A_1 = vector.load %arg13[%get3A, %get3A_0] : memref<1024x1xf32, #tpu.memory_space<vmem>>, vector<1024x1xf32>
    %get3A_2 = arith.constant 0 : index
    %get3A_3 = arith.constant 0 : index
    %get3A_4 = vector.load %arg14[%get3A_2, %get3A_3] : memref<1024x1xf32, #tpu.memory_space<vmem>>, vector<1024x1xf32>
    %add3A = arith.addf %get3A_1, %get3A_4 : vector<1024x1xf32>
    %sub3A = arith.constant 1.000000e+00 : f32
    %sub3A_5 = vector.broadcast %sub3A : f32 to vector<1024x1xf32>
    %sub3A_6 = arith.subf %add3A, %sub3A_5 : vector<1024x1xf32>
    %rsqrt3A = math.rsqrt %sub3A_6 : vector<1024x1xf32>
    %get3A_7 = arith.constant 0 : index
    %get3A_8 = arith.constant 0 : index
    %get3A_9 = vector.load %arg1[%get3A_7, %get3A_8] : memref<1024x128xf32, #tpu.memory_space<vmem>>, vector<1024x128xf32>
    %get3A_10 = arith.constant 0 : index
    %get3A_11 = arith.constant 0 : index
    %get3A_12 = vector.load %arg2[%get3A_10, %get3A_11] : memref<1024x128xf32, #tpu.memory_space<vmem>>, vector<1024x128xf32>
    %add3A_13 = arith.addf %get3A_9, %get3A_12 : vector<1024x128xf32>
    %get3A_14 = arith.constant 0 : index
    %get3A_15 = arith.constant 0 : index
    %get3A_16 = vector.load %arg3[%get3A_14, %get3A_15] : memref<1024x128xf32, #tpu.memory_space<vmem>>, vector<1024x128xf32>
    %sub3A_17 = arith.subf %add3A_13, %get3A_16 : vector<1024x128xf32>
    %mul3A = vector.broadcast %rsqrt3A : vector<1024x1xf32> to vector<1024x128xf32>
    %mul3A_18 = arith.mulf %sub3A_17, %mul3A : vector<1024x128xf32>
    %get3A_19 = arith.constant 0 : index
    %get3A_20 = arith.constant 0 : index
    %get3A_21 = vector.load %arg5[%get3A_19, %get3A_20] : memref<1x128xf32, #tpu.memory_space<vmem>>, vector<1x128xf32>
    %add3A_22 = vector.broadcast %get3A_21 : vector<1x128xf32> to vector<1024x128xf32>
    %add3A_23 = arith.addf %mul3A_18, %add3A_22 : vector<1024x128xf32>
    %reduce_sum3A = arith.constant dense<0.000000e+00> : vector<1024xf32>
    %reduce_sum3A_24 = vector.multi_reduction <add>, %add3A_23, %reduce_sum3A [1] : vector<1024x128xf32> to vector<1024xf32>
    %broadcast_in_dim3A = vector.shape_cast %reduce_sum3A_24 : vector<1024xf32> to vector<1024x1xf32>
    %div3A = arith.constant 1.280000e+02 : f32
    %div3A_25 = vector.broadcast %div3A : f32 to vector<1024x1xf32>
    %div3A_26 = arith.divf %broadcast_in_dim3A, %div3A_25 : vector<1024x1xf32>
    %sub3A_27 = vector.broadcast %div3A_26 : vector<1024x1xf32> to vector<1024x128xf32>
    %sub3A_28 = arith.subf %add3A_23, %sub3A_27 : vector<1024x128xf32>
    %integer_pow3A = arith.mulf %sub3A_28, %sub3A_28 : vector<1024x128xf32>
    %reduce_sum3A_29 = arith.constant dense<0.000000e+00> : vector<1024xf32>
    %reduce_sum3A_30 = vector.multi_reduction <add>, %integer_pow3A, %reduce_sum3A_29 [1] : vector<1024x128xf32> to vector<1024xf32>
    %broadcast_in_dim3A_31 = vector.shape_cast %reduce_sum3A_30 : vector<1024xf32> to vector<1024x1xf32>
    %div3A_32 = arith.constant 1.280000e+02 : f32
    %div3A_33 = vector.broadcast %div3A_32 : f32 to vector<1024x1xf32>
    %div3A_34 = arith.divf %broadcast_in_dim3A_31, %div3A_33 : vector<1024x1xf32>
    %sub3A_35 = vector.broadcast %div3A_26 : vector<1024x1xf32> to vector<1024x128xf32>
    %sub3A_36 = arith.subf %add3A_23, %sub3A_35 : vector<1024x128xf32>
    %add3A_37 = arith.constant 9.99999974E-6 : f32
    %add3A_38 = vector.broadcast %add3A_37 : f32 to vector<1024x1xf32>
    %add3A_39 = arith.addf %div3A_34, %add3A_38 : vector<1024x1xf32>
    %rsqrt3A_40 = math.rsqrt %add3A_39 : vector<1024x1xf32>
    %mul3A_41 = vector.broadcast %rsqrt3A_40 : vector<1024x1xf32> to vector<1024x128xf32>
    %mul3A_42 = arith.mulf %sub3A_36, %mul3A_41 : vector<1024x128xf32>
    %get3A_43 = arith.constant 0 : index
    %get3A_44 = arith.constant 0 : index
    %get3A_45 = vector.load %arg6[%get3A_43, %get3A_44] : memref<1x128xf32, #tpu.memory_space<vmem>>, vector<1x128xf32>
    %mul3A_46 = vector.broadcast %get3A_45 : vector<1x128xf32> to vector<1024x128xf32>
    %mul3A_47 = arith.mulf %mul3A_42, %mul3A_46 : vector<1024x128xf32>
    %get3A_48 = arith.constant 0 : index
    %get3A_49 = arith.constant 0 : index
    %get3A_50 = vector.load %arg7[%get3A_48, %get3A_49] : memref<1x128xf32, #tpu.memory_space<vmem>>, vector<1x128xf32>
    %add3A_51 = vector.broadcast %get3A_50 : vector<1x128xf32> to vector<1024x128xf32>
    %add3A_52 = arith.addf %mul3A_47, %add3A_51 : vector<1024x128xf32>
    %max3A = arith.constant 0.000000e+00 : f32
    %max3A_53 = vector.broadcast %max3A : f32 to vector<1024x128xf32>
    %max3A_54 = arith.maximumf %add3A_52, %max3A_53 : vector<1024x128xf32>
    %get3A_55 = arith.constant 0 : index
    %get3A_56 = arith.constant 0 : index
    %get3A_57 = vector.load %arg4[%get3A_55, %get3A_56] : memref<1024x128xf32, #tpu.memory_space<vmem>>, vector<1024x128xf32>
    %add3A_58 = arith.addf %max3A_54, %get3A_57 : vector<1024x128xf32>
    %reduce_sum3A_59 = arith.constant dense<0.000000e+00> : vector<1024xf32>
    %reduce_sum3A_60 = vector.multi_reduction <add>, %add3A_58, %reduce_sum3A_59 [1] : vector<1024x128xf32> to vector<1024xf32>
    %broadcast_in_dim3A_61 = vector.shape_cast %reduce_sum3A_60 : vector<1024xf32> to vector<1024x1xf32>
    %div3A_62 = arith.constant 1.280000e+02 : f32
    %div3A_63 = vector.broadcast %div3A_62 : f32 to vector<1024x1xf32>
    %div3A_64 = arith.divf %broadcast_in_dim3A_61, %div3A_63 : vector<1024x1xf32>
    %sub3A_65 = vector.broadcast %div3A_64 : vector<1024x1xf32> to vector<1024x128xf32>
    %sub3A_66 = arith.subf %add3A_58, %sub3A_65 : vector<1024x128xf32>
    %integer_pow3A_67 = arith.mulf %sub3A_66, %sub3A_66 : vector<1024x128xf32>
    %reduce_sum3A_68 = arith.constant dense<0.000000e+00> : vector<1024xf32>
    %reduce_sum3A_69 = vector.multi_reduction <add>, %integer_pow3A_67, %reduce_sum3A_68 [1] : vector<1024x128xf32> to vector<1024xf32>
    %broadcast_in_dim3A_70 = vector.shape_cast %reduce_sum3A_69 : vector<1024xf32> to vector<1024x1xf32>
    %div3A_71 = arith.constant 1.280000e+02 : f32
    %div3A_72 = vector.broadcast %div3A_71 : f32 to vector<1024x1xf32>
    %div3A_73 = arith.divf %broadcast_in_dim3A_70, %div3A_72 : vector<1024x1xf32>
    %sub3A_74 = vector.broadcast %div3A_64 : vector<1024x1xf32> to vector<1024x128xf32>
    %sub3A_75 = arith.subf %add3A_58, %sub3A_74 : vector<1024x128xf32>
    %add3A_76 = arith.constant 9.99999974E-6 : f32
    %add3A_77 = vector.broadcast %add3A_76 : f32 to vector<1024x1xf32>
    %add3A_78 = arith.addf %div3A_73, %add3A_77 : vector<1024x1xf32>
    %rsqrt3A_79 = math.rsqrt %add3A_78 : vector<1024x1xf32>
    %mul3A_80 = vector.broadcast %rsqrt3A_79 : vector<1024x1xf32> to vector<1024x128xf32>
    %mul3A_81 = arith.mulf %sub3A_75, %mul3A_80 : vector<1024x128xf32>
    %get3A_82 = arith.constant 0 : index
    %get3A_83 = arith.constant 0 : index
    %get3A_84 = vector.load %arg8[%get3A_82, %get3A_83] : memref<1x128xf32, #tpu.memory_space<vmem>>, vector<1x128xf32>
    %mul3A_85 = vector.broadcast %get3A_84 : vector<1x128xf32> to vector<1024x128xf32>
    %mul3A_86 = arith.mulf %mul3A_81, %mul3A_85 : vector<1024x128xf32>
    %get3A_87 = arith.constant 0 : index
    %get3A_88 = arith.constant 0 : index
    %get3A_89 = vector.load %arg9[%get3A_87, %get3A_88] : memref<1x128xf32, #tpu.memory_space<vmem>>, vector<1x128xf32>
    %add3A_90 = vector.broadcast %get3A_89 : vector<1x128xf32> to vector<1024x128xf32>
    %add3A_91 = arith.addf %mul3A_86, %add3A_90 : vector<1024x128xf32>
    %get3A_92 = arith.constant 0 : index
    %get3A_93 = arith.constant 0 : index
    %get3A_94 = vector.load %arg10[%get3A_92, %get3A_93] : memref<128x128xf32, #tpu.memory_space<vmem>>, vector<128x128xf32>
    %dot_general3A = arith.constant dense<0.000000e+00> : vector<1024x128xf32>
    %dot_general3A_95 = tpu.matmul %add3A_91, %get3A_94, %dot_general3A {dimension_numbers = #tpu.dot_dimension_numbers<[1], [0], [0], [1], [0, 0, 1, 1], [], []>, transpose_lhs_hint = false} : vector<1024x128xf32>, vector<128x128xf32>, vector<1024x128xf32> -> vector<1024x128xf32>
    %get3A_96 = arith.constant 0 : index
    %get3A_97 = arith.constant 0 : index
    %get3A_98 = vector.load %arg11[%get3A_96, %get3A_97] : memref<1x128xf32, #tpu.memory_space<vmem>>, vector<1x128xf32>
    %add3A_99 = vector.broadcast %get3A_98 : vector<1x128xf32> to vector<1024x128xf32>
    %add3A_100 = arith.addf %dot_general3A_95, %add3A_99 : vector<1024x128xf32>
    %iota3A = tpu.iota {dimensions = array<i32: 1>} : vector<1024x128xi32>
    %lt3A = arith.constant 12 : i32
    %lt3A_101 = vector.broadcast %lt3A : i32 to vector<1024x128xi32>
    %lt3A_102 = arith.cmpi slt, %iota3A, %lt3A_101 : vector<1024x128xi32>
    %ge3A = arith.constant 12 : i32
    %ge3A_103 = vector.broadcast %ge3A : i32 to vector<1024x128xi32>
    %ge3A_104 = arith.cmpi sge, %iota3A, %ge3A_103 : vector<1024x128xi32>
    %lt3A_105 = arith.constant 24 : i32
    %lt3A_106 = vector.broadcast %lt3A_105 : i32 to vector<1024x128xi32>
    %lt3A_107 = arith.cmpi slt, %iota3A, %lt3A_106 : vector<1024x128xi32>
    %and3A = arith.andi %ge3A_104, %lt3A_107 : vector<1024x128xi1>
    %ge3A_108 = arith.constant 24 : i32
    %ge3A_109 = vector.broadcast %ge3A_108 : i32 to vector<1024x128xi32>
    %ge3A_110 = arith.cmpi sge, %iota3A, %ge3A_109 : vector<1024x128xi32>
    %lt3A_111 = arith.constant 36 : i32
    %lt3A_112 = vector.broadcast %lt3A_111 : i32 to vector<1024x128xi32>
    %lt3A_113 = arith.cmpi slt, %iota3A, %lt3A_112 : vector<1024x128xi32>
    %and3A_114 = arith.andi %ge3A_110, %lt3A_113 : vector<1024x128xi1>
    %jit3A = arith.constant -1.000000e+30 : f32
    %broadcast_in_dim3A_115 = vector.broadcast %jit3A : f32 to vector<1024x128xf32>
    %select_n3A = arith.select %lt3A_102, %add3A_100, %broadcast_in_dim3A_115 : vector<1024x128xi1>, vector<1024x128xf32>
    %reduce_max3A = arith.constant dense<0xFF800000> : vector<1024xf32>
    %reduce_max3A_116 = vector.multi_reduction <maximumf>, %select_n3A, %reduce_max3A [1] : vector<1024x128xf32> to vector<1024xf32>
    %broadcast_in_dim3A_117 = vector.shape_cast %reduce_max3A_116 : vector<1024xf32> to vector<1024x1xf32>
    %sub3A_118 = vector.broadcast %broadcast_in_dim3A_117 : vector<1024x1xf32> to vector<1024x128xf32>
    %sub3A_119 = arith.subf %add3A_100, %sub3A_118 : vector<1024x128xf32>
    %jit3A_120 = arith.constant -1.000000e+30 : f32
    %broadcast_in_dim3A_121 = vector.broadcast %jit3A_120 : f32 to vector<1024x128xf32>
    %select_n3A_122 = arith.select %lt3A_102, %sub3A_119, %broadcast_in_dim3A_121 : vector<1024x128xi1>, vector<1024x128xf32>
    %exp3A = math.exp %select_n3A_122 : vector<1024x128xf32>
    %reduce_sum3A_123 = arith.constant dense<0.000000e+00> : vector<1024xf32>
    %reduce_sum3A_124 = vector.multi_reduction <add>, %exp3A, %reduce_sum3A_123 [1] : vector<1024x128xf32> to vector<1024xf32>
    %broadcast_in_dim3A_125 = vector.shape_cast %reduce_sum3A_124 : vector<1024xf32> to vector<1024x1xf32>
    %div3A_126 = vector.broadcast %broadcast_in_dim3A_125 : vector<1024x1xf32> to vector<1024x128xf32>
    %div3A_127 = arith.divf %exp3A, %div3A_126 : vector<1024x128xf32>
    %jit3A_128 = arith.constant 0.000000e+00 : f32
    %broadcast_in_dim3A_129 = vector.broadcast %jit3A_128 : f32 to vector<1024x128xf32>
    %select_n3A_130 = arith.select %and3A_114, %add3A_100, %broadcast_in_dim3A_129 : vector<1024x128xi1>, vector<1024x128xf32>
    %exp3A_131 = math.exp %select_n3A_130 : vector<1024x128xf32>
    %get3A_132 = arith.constant 0 : index
    %get3A_133 = arith.constant 0 : index
    %get3A_134 = vector.load %arg12[%get3A_132, %get3A_133] : memref<1x1xf32, #tpu.memory_space<vmem>>, vector<1x1xf32>
    %get3A_135 = vector.extract %get3A_134[0, 0] : f32 from vector<1x1xf32>
    %add3A_136 = vector.broadcast %get3A_135 : f32 to vector<1024x128xf32>
    %add3A_137 = arith.addf %exp3A_131, %add3A_136 : vector<1024x128xf32>
    %jit3A_138 = arith.constant 0.000000e+00 : f32
    %broadcast_in_dim3A_139 = vector.broadcast %jit3A_138 : f32 to vector<1024x128xf32>
    %select_n3A_140 = arith.select %and3A_114, %add3A_137, %broadcast_in_dim3A_139 : vector<1024x128xi1>, vector<1024x128xf32>
    %select_n3A_141 = arith.select %and3A, %add3A_100, %select_n3A_140 : vector<1024x128xi1>, vector<1024x128xf32>
    %select_n3A_142 = arith.select %lt3A_102, %div3A_127, %select_n3A_141 : vector<1024x128xi1>, vector<1024x128xf32>
    %swap3A = arith.constant 0 : index
    %swap3A_143 = arith.constant 0 : index
    %swap3A_144 = vector.load %arg15[%swap3A, %swap3A_143] : memref<1024x128xf32, #tpu.memory_space<vmem>>, vector<1024x128xf32>
    tpu.vector_store %arg15[%swap3A, %swap3A_143], %select_n3A_142 {strides = array<i32>} : memref<1024x128xf32, #tpu.memory_space<vmem>>, vector<1024x128xf32>,
    return
  }
  func.func @transform_0(%arg0: i32) -> (i32, i32) {
    %c0_i32 = arith.constant 0 : i32
    %c0_i32_0 = arith.constant 0 : i32
    return %arg0, %c0_i32 : i32, i32
  }
  func.func @transform_1(%arg0: i32) -> (i32, i32) {
    %add3A = arith.constant 10 : i32
    %add3A_0 = arith.addi %arg0, %add3A : i32
    %c0_i32 = arith.constant 0 : i32
    %c0_i32_1 = arith.constant 0 : i32
    return %add3A_0, %c0_i32 : i32, i32
  }
  func.func @transform_2(%arg0: i32) -> (i32, i32) {
    %c0_i32 = arith.constant 0 : i32
    %c0_i32_0 = arith.constant 0 : i32
    return %arg0, %c0_i32 : i32, i32
  }
  func.func @transform_3(%arg0: i32) -> (i32, i32) {
    %c0_i32 = arith.constant 0 : i32
    %c0_i32_0 = arith.constant 0 : i32
    return %arg0, %c0_i32 : i32, i32
  }
  func.func @transform_4(%arg0: i32) -> (i32, i32) {
    %c0_i32 = arith.constant 0 : i32
    %c0_i32_0 = arith.constant 0 : i32
    %c0_i32_1 = arith.constant 0 : i32
    return %c0_i32, %c0_i32_0 : i32, i32
  }
  func.func @transform_5(%arg0: i32) -> (i32, i32) {
    %c0_i32 = arith.constant 0 : i32
    %c0_i32_0 = arith.constant 0 : i32
    %c0_i32_1 = arith.constant 0 : i32
    return %c0_i32, %c0_i32_0 : i32, i32
  }
  func.func @transform_6(%arg0: i32) -> (i32, i32) {
    %c0_i32 = arith.constant 0 : i32
    %c0_i32_0 = arith.constant 0 : i32
    %c0_i32_1 = arith.constant 0 : i32
    return %c0_i32, %c0_i32_0 : i32, i32
  }
  func.func @transform_7(%arg0: i32) -> (i32, i32) {
    %c0_i32 = arith.constant 0 : i32
    %c0_i32_0 = arith.constant 0 : i32
    %c0_i32_1 = arith.constant 0 : i32
    return %c0_i32, %c0_i32_0 : i32, i32
  }
  func.func @transform_8(%arg0: i32) -> (i32, i32) {
    %c0_i32 = arith.constant 0 : i32
    %c0_i32_0 = arith.constant 0 : i32
    %c0_i32_1 = arith.constant 0 : i32
    return %c0_i32, %c0_i32_0 : i32, i32
  }
  func.func @transform_9(%arg0: i32) -> (i32, i32) {
    %c0_i32 = arith.constant 0 : i32
    %c0_i32_0 = arith.constant 0 : i32
    %c0_i32_1 = arith.constant 0 : i32
    return %c0_i32, %c0_i32_0 : i32, i32
  }
  func.func @transform_10(%arg0: i32) -> (i32, i32) {
    %c0_i32 = arith.constant 0 : i32
    %c0_i32_0 = arith.constant 0 : i32
    %c0_i32_1 = arith.constant 0 : i32
    return %c0_i32, %c0_i32_0 : i32, i32
  }
  func.func @transform_11(%arg0: i32) -> (i32, i32) {
    %c0_i32 = arith.constant 0 : i32
    %c0_i32_0 = arith.constant 0 : i32
    %c0_i32_1 = arith.constant 0 : i32
    return %c0_i32, %c0_i32_0 : i32, i32
  }
  func.func @transform_12(%arg0: i32) -> (i32, i32) {
    %c0_i32 = arith.constant 0 : i32
    %c0_i32_0 = arith.constant 0 : i32
    return %arg0, %c0_i32 : i32, i32
  }
  func.func @transform_13(%arg0: i32) -> (i32, i32) {
    %c0_i32 = arith.constant 0 : i32
    %c0_i32_0 = arith.constant 0 : i32
    return %arg0, %c0_i32 : i32, i32
  }
  func.func @transform_14(%arg0: i32) -> (i32, i32) {
    %c0_i32 = arith.constant 0 : i32
    %c0_i32_0 = arith.constant 0 : i32
    return %arg0, %c0_i32 : i32, i32
  }
}

</mosaic_0001>

<sc_bundles>
// kernel: kernel.10.cloned.1.call-start
scs
__scs_entry_jumppad:
0x0: {  	(pc) =	sbr.rel $0x88, $3  }
0x1: {  	(tag) =	ssettag $0x0;
	lr =	simm.s32 $0x1  }
0x2: {  	[smem:$0x3F92] =	sst lr;
	_ =	strace $0xD0000000  }
0x3: {  	_ = 	snop  }
0x4: {  	_ = 	snop  }
0x5: {  	_ = 	snop  }
0x6: {  	_ = 	snop  }
0x7: {  	_ = 	snop  }
__scs_overlays_trampoline_lowered:
0x8: {  	[smem:$0x3FA1] =	sst s0  }
0x9: {  	[smem:$0x3FA2] =	sst s1  }
0xa: {  	[smem:$0x3FA3] =	sst s2  }
0xb: {  	[smem:$0x3FA4] =	sst s3  }
0xc: {  	[smem:$0x3FA5] =	sst s4  }
0xd: {  	[smem:$0x3FA6] =	sst s5  }
0xe: {  	[smem:$0x3FA7] =	sst s6  }
0xf: {  	[smem:$0x3FA8] =	sst s7  }
0x10: {  	[smem:$0x3FA9] =	sst s8  }
0x11: {  	[smem:$0x3FAA] =	sst s9;
	s0 =	simm.s32 @!p0 $0x0  }
0x12: {  	s1 =	sld [smem:$0x3F90];
	s0 =	simm.s32 @p0 $0x1  }
0x13: {  	[smem:$0x3FAB] =	sst s0;
	s0 =	simm.s32 @!p1 $0x0  }
0x14: {  	s2 =	sld [smem:$0x3F8F];
	s0 =	simm.s32 @p1 $0x1  }
0x15: {  	[smem:$0x3FAC] =	sst s0;
	s0 =	simm.s32 @!p2 $0x0  }
0x16: {  	s3 =	sld [smem:$0x3FDB];
	s0 =	simm.s32 @p2 $0x1  }
0x17: {  	s4 =	simm.s32 $0x1BF5;
	[smem:$0x3FAE] =	sst s0  }
0x18: {  	s0 =	sld [smem:$0x3F91];
	_ =	swait.ge [sflag:s4], $0x0  }
0x19: {  	s7 =	sld [smem:$0x3F92]  }
0x1a: {  	s8 =	sadd.s32 $0xFFFFE003, lr  }
0x1b: {  	s9 =	sadd.s32 $0xFFFFFEF7, lr;
	s5 =	simm.s32 $0xFFFFFFFF;
	p2 =	slt.u32 s8, $0xFFFFF086  }
0x1c: {  	p1 =	slt.u32 s9, $0xF7A;
	s5 =	simm.s32 @!p2 $0x0  }
0x1d: {  	s5 =	simm.s32 @p1 $0x1;
	p0 =	seq.s32 s7, s2  }
0x1e: {  	s7 =	smul.u32 @!p0 $0xF7A, s2;
	p2 =	seq.s32 @!p0 s5, $0x0  }
0x1f: {  	s9 =	smul.u32 $0xF7A, s1;
	s8 =	simm.s32 @!p0 $0x1BF5;
	p2 =	por !p2, p0  }
0x20: {  	[sflag:s8] =	ssyncset.s32 @!p0 $0xFFFFF086;
	s6 =	sadd.s32 @!p0 s3, s7;
	s7 =	simm.s32 @!p0 $0x108  }
0x21: {  	s3 =	sadd.s32 s3, s9;
	s6 =	sadd.s32 @!p0 $0x88, s6;
	s7 =	simm.s32 @p2 $0x1082  }
0x22: {  	[simem:s7], [sflag:s8] =	dma.local @!p0 [hbm:s6], $0xF7A  }
0x23: {  	s9 =	sor.u32 $0xD0000000, s2;
	s6 =	simm.s32 $0x108;
	_ =	swait.ge @!p0 [sflag:s8], $0x0  }
0x24: {  	s3 =	sadd.s32 $0x88, s3;
	s6 =	simm.s32 @!p1 $0x1082;
	[sflag:s4] =	ssyncset.s32 $0xFFFFF086  }
0x25: {  	[simem:s6], [sflag:s4] =	dma.local [hbm:s3], $0xF7A  }
0x26: {  	[smem:$0x3F92] =	sst s1;
	(tag) =	ssettag s2;
	_ =	strace s9  }
0x27: {  	s1 =	sld [smem:$0x3FA2]  }
0x28: {  	s2 =	sld [smem:$0x3FA3]  }
0x29: {  	s4 =	sld [smem:$0x3FA5]  }
0x2a: {  	p0 =	seq.s32 s5, $0x0;
	s5 =	sld [smem:$0x3FA6]  }
0x2b: {  	s6 =	sld [smem:$0x3FA7]  }
0x2c: {  	s7 =	sld [smem:$0x3FA8]  }
0x2d: {  	s3 =	simm.s32 $0x108;
	s8 =	sld [smem:$0x3FA9]  }
0x2e: {  	s3 =	simm.s32 @!p0 $0x1082;
	s9 =	sld [smem:$0x3FAA]  }
0x2f: {  	lr =	sadd.s32 s0, s3;
	s0 =	sld [smem:$0x3FA1]  }
0x30: {  	s3 =	sld [smem:$0x3FA4]  }
0x31: {  	[smem:$0x3FAD] =	sst s10  }
0x32: {  	s10 =	sld [smem:$0x3FAB];
	_ =	sdelay $0x3  }
0x33: {  	p0 =	seq.s32 s10, $0x1;
	s10 =	sld [smem:$0x3FAD];
	_ =	sdelay $0x3  }
0x34: {  	[smem:$0x3FAD] =	sst s10  }
0x35: {  	s10 =	sld [smem:$0x3FAC];
	_ =	sdelay $0x3  }
0x36: {  	p1 =	seq.s32 s10, $0x1;
	s10 =	sld [smem:$0x3FAD];
	_ =	sdelay $0x3  }
0x37: {  	[smem:$0x3FAD] =	sst s10  }
0x38: {  	s10 =	sld [smem:$0x3FAE]  }
0x39: {  	_ = 	snop;
	(pc) =	sbr.ind lr, $3  }
0x3a: {  	_ = 	snop  }
0x3b: {  	_ = 	snop  }
0x3c: {  	p2 =	seq.s32 s10, $0x1;
	s10 =	sld [smem:$0x3FAD]  }
0x3d: {  	_ =	shalt  }
0x3e: {  	_ =	shalt  }
0x3f: {  	_ =	shalt  }
0x40: {  	_ =	shalt  }
0x41: {  	_ =	shalt  }
0x42: {  	_ =	shalt  }
0x43: {  	_ =	shalt  }
0x44: {  	_ =	shalt  }
0x45: {  	_ =	shalt  }
0x46: {  	_ =	shalt  }
0x47: {  	_ =	shalt  }
0x48: {  	_ =	shalt  }
0x49: {  	_ =	shalt  }
0x4a: {  	_ =	shalt  }
0x4b: {  	_ =	shalt  }
0x4c: {  	_ =	shalt  }
0x4d: {  	_ =	shalt  }
0x4e: {  	_ =	shalt  }
0x4f: {  	_ =	shalt  }
0x50: {  	_ =	shalt  }
0x51: {  	_ =	shalt  }
0x52: {  	_ =	shalt  }
0x53: {  	_ =	shalt  }
0x54: {  	_ =	shalt  }
0x55: {  	_ =	shalt  }
0x56: {  	_ =	shalt  }
0x57: {  	_ =	shalt  }
0x58: {  	_ =	shalt  }
0x59: {  	_ =	shalt  }
0x5a: {  	_ =	shalt  }
0x5b: {  	_ =	shalt  }
0x5c: {  	_ =	shalt  }
0x5d: {  	_ =	shalt  }
0x5e: {  	_ =	shalt  }
0x5f: {  	_ =	shalt  }
0x60: {  	_ =	shalt  }
0x61: {  	_ =	shalt  }
0x62: {  	_ =	shalt  }
0x63: {  	_ =	shalt  }
0x64: {  	_ =	shalt  }
0x65: {  	_ =	shalt  }
0x66: {  	_ =	shalt  }
0x67: {  	_ =	shalt  }
0x68: {  	_ =	shalt  }
0x69: {  	_ =	shalt  }
0x6a: {  	_ =	shalt  }
0x6b: {  	_ =	shalt  }
0x6c: {  	_ =	shalt  }
0x6d: {  	_ =	shalt  }
0x6e: {  	_ =	shalt  }
0x6f: {  	_ =	shalt  }
0x70: {  	_ =	shalt  }
0x71: {  	_ =	shalt  }
0x72: {  	_ =	shalt  }
0x73: {  	_ =	shalt  }
0x74: {  	_ =	shalt  }
0x75: {  	_ =	shalt  }
0x76: {  	_ =	shalt  }
0x77: {  	_ =	shalt  }
0x78: {  	_ =	shalt  }
0x79: {  	_ =	shalt  }
0x7a: {  	_ =	shalt  }
0x7b: {  	_ =	shalt  }
0x7c: {  	_ =	shalt  }
0x7d: {  	_ =	shalt  }
0x7e: {  	_ =	shalt  }
0x7f: {  	_ =	shalt  }
0x80: {  	_ =	shalt  }
0x81: {  	_ =	shalt  }
0x82: {  	_ =	shalt  }
0x83: {  	_ =	shalt  }
0x84: {  	_ =	shalt  }
0x85: {  	_ =	shalt  }
0x86: {  	_ =	shalt  }
0x87: {  	_ =	shalt  }
.Lfunc_end0:
.L_simem_size_0:
called_computation_lowered:
.L_overlay_start_0:
0x88: {  	s2 =	sld [smem:$0x3FD9]  }
0x89: {  	s3 =	sld [smem:$0x3FFE];
	_ =	sdelay $0x1  }
0x8a: {  	s1 =	srdreg.scid  }
0x8b: {  	s0 =	sand.u32 $0x1, s1  }
0x8c: {  	s16 =	sshll.u32 s0, $0xA;
	s2 =	sadd.s32 s3, s2  }
0x8d: {  	s2 =	sadd.s32 s2, s16  }
0x8e: {  	[smem:$0x3FB9] =	sst s2  }
0x8f: {  	_ = 	snop  }
0x90: {  	(tm) =	ssettm $0x1  }
0x91: {  	s17 =	sld [smem:$0x3FFB];
	_ =	sdelay $0x3  }
0x92: {  	_ =	strace s17  }
0x93: {  	s2 =	sld [smem:$0x3FFC];
	_ =	sdelay $0x3  }
0x94: {  	_ =	strace s2  }
0x95: {  	s2 =	sld [smem:$0x3FFD];
	_ =	sdelay $0x3  }
0x96: {  	_ =	strace s2  }
0x97: {  	_ =	strace $0x8FFFFFFF  }
0x98: {  	s18 =	sld [smem:$0x3FDB];
	_ =	sdelay $0x1  }
0x99: {  	s19 =	simm.s32 $_scs_section_size  }
0x9a: {  	s4 =	simm.s32 $_size__tile_overlayer_lowered;
	s5 =	simm.s32 $_tile_overlayer_lowered  }
0x9b: {  	s22 =	simm.s32 $0x1BFF;
	s21 =	sshll.u32 s5, $0x1;
	s2 =	sadd.s32 s19, s18  }
0x9c: {  	s6 =	simm.s32 $0x0;
	s20 =	sshll.u32 s4, $0x1;
	s4 =	sadd.s32 s21, s2  }
0x9d: {  	[timem:s6], [sflag:s22] =	dma.local [hbm:s4], s20  }
0x9e: {  	_ =	swait.ge [sflag:s22], s20  }
0x9f: {  	s3 =	ssub.s32 $0x0, s20;
	[sflag:s22] =	ssyncset.done $0x0  }
0xa0: {  	[sflag:s22] =	ssyncadd.s32 s3;
	_ =	sdelay $0x1  }
0xa1: {  	s23 =	simm.s32 $0x1B8B  }
0xa2: {  	_ =	swait.ge [sflag:s23], $0x1  }
0xa3: {  	[sflag:s23] =	ssyncset.done $0x0  }
0xa4: {  	s25 =	simm.s32 $0x1B8E;
	s24 =	sld [smem:$0x3FFE];
	[sflag:s23] =	ssyncadd.s32 $0xFFFFFFFF  }
0xa5: {  	s26 =	simm.s32 $execute0_lowered;
	[smem:$0x3FD2] =	sst s25  }
0xa6: {  	s4 =	sshll.u32 s26, $0x1;
	_ =	strace $0x80000046;
	[dreg:$0x1] =	wrdreg $0xFFFFFFFF  }
0xa7: {  	s28 =	simm.s32 $_size_execute0_lowered;
	s2 =	sadd.s32 s2, s4;
	[dreg:$0x0] =	wrdreg $0x0  }
0xa8: {  	s4 =	sshll.u32 s28, $0x1;
	[dreg:$0x2] =	wrdreg s2  }
0xa9: {  	[dreg:$0x3] =	wrdreg s4  }
0xaa: {  	[dreg:$0x4] =	wrdreg $0xC0  }
0xab: {  	_ =	task [dreg:s6], $0x5FFFF  }
0xac: {  	[dreg:$0x1] =	wrdreg $0xFFFFFFFF  }
0xad: {  	[dreg:$0x0] =	wrdreg $0x60  }
0xae: {  	[dreg:$0x2] =	wrdreg s24  }
0xaf: {  	[dreg:$0x3] =	wrdreg $0x41000  }
0xb0: {  	[dreg:$0x4] =	wrdreg $0x9  }
0xb1: {  	_ =	task.clear_ibuf [dreg:s6], $0x5FFFF;
	_ =	strace $0x90000046  }
0xb2: {  	s29 =	simm.s32 $0x9;
	_ =	strace $0x80000048  }
0xb3: {  	_ =	swait.ge [sflag:s29], $0x1  }
0xb4: {  	[sflag:s29] =	ssyncadd.s32 $0xFFFFFFFF  }
0xb5: {  	_ =	strace $0x90000048  }
0xb6: {  	_ =	sfence  }
0xb7: {  	s30 =	sld [smem:$0x0];
	_ =	sdelay $0x2  }
0xb8: {  	s31 =	sshll.u32 s1, $0xD;
	s1 =	sshrl.u32 s1, $0x2  }
0xb9: {  	s3 =	sand.u32 $0x4000, s31;
	s1 =	sadd.s32 s1, s30  }
0xba: {  	s0 =	sor.u32 s3, s0;
	s1 =	sshll.u32 s1, $0x11  }
0xbb: {  	s0 =	sor.u32 s1, s0  }
0xbc: {  	s0 =	sadd.s32 $0x8F2B, s0  }
0xbd: {  	[sflag:s0] =	ssyncadd.remote.s32 $0x1  }
0xbe: {  	_ =	sfence.sel $0xFFFF  }
0xbf: {  	[dreg:$0x0] =	wrdreg $0xFFFFFFFF;
	(pc) =	sbr.abs _section_cstart, $3  }
0xc0: {  	[dreg:$0x1] =	wrdreg $0xFFFFFFFF  }
0xc1: {  	_ =	task.clear_ibuf [dreg:s6], $0x2FFFF;
	_ =	strace $0x9FFFFFFF  }
0xc2: {  	(tm) =	ssettm $0x7FFFFFFF  }
0xc3: {  	_ =	shalt  }
tec
execute0_lowered:
.L_overlay_start_1:
0x0: {  	(tag) =	ssettag $0x1  }
0x1: {  	s5 =	rddreg [dreg:$0x0]  }
0x2: {  	s2 =	rddreg [dreg:$0x1];
	s3 =	srdreg.scid  }
0x3: {  	s0 =	rddreg [dreg:$0x2];
	s1 =	stileid.u32;
	s16 =	simm.s32 $0x80  }
0x4: {  	s17 =	simm.s32 $0x1;
	s18 =	simm.s32 $0x2;
	s19 =	simm.s32 $0x0  }
0x5: {  	s6 =	sand.u32 $0x1, s3;
	s3 =	simm.s32 $0x0;
	s7 =	smul.u32 $0x2800, s1  }
0x6: {  	s24 =	smul.u32 $0x50000, s1;
	s12 =	sadd.s32 $0xF800, s5;
	s29 =	sshll.u32 s1, $0x6  }
0x7: {  	s4 =	sshll.u32 s6, $0x4;
	[smem:$0x7FF] =	sst s3;
	s8 =	smul.u32 $0x28000, s6  }
0x8: {  	s6 =	ssub.s32 $0x2, s6;
	s9 =	sor.u32 s1, s4;
	_ =	strace $0x80000047  }
0x9: {  	s4 =	sadd.s32 $0x19A00, s5;
	s25 =	sshrl.u32 s6, $0x1;
	s26 =	sshrl.u32 s24, $0x2  }
0xa: {  	s9 =	smul.u32 $0x2800, s9;
	s10 =	sadd.s32 s7, s8;
	s13 =	ssub.s32 s6, s25  }
0xb: {  	s14 =	sadd.s32 s26, s2;
	s6 =	sadd.s32 s4, s7;
	s7 =	sor.u32 $0x1C03, s29  }
0xc: {  	s11 =	sadd.s32 s10, s5;
	s30 =	sor.u32 $0x180, s10;
	s15 =	sor.u32 $0x100, s10  }
0xd: {  	s10 =	smax.u32 s13, $0x1;
	s13 =	sshrl.u32 s14, $0x3;
	s14 =	simm.s32 $0x3  }
0xe: {  	s28 =	sshrl.u32 s9, $0x3;
	s9 =	sadd.s32 $0x41A00, s11;
	s11 =	sshrl.u32 s30, $0x3  }
0xf: {  	s31 =	sshrl.u32 s15, $0x3;
	s15 =	simm.s32 $0x100;
	s5 =	sadd.s32 s12, s28  }
0x10: {  	s11 =	sadd.s32 s11, s12;
	s12 =	sadd.s32 s31, s12;
	s8 =	sadd.s32 $0x10, s5  }
.LBB2_1:
0x11: {  	[spmem:s13], [sflag:s7] =	dma.local [hbm:s6], $0x2800  }
0x12: {  	_ =	swait.ge [sflag:s14], $0x2800  }
0x13: {  	[sflag:s14] =	ssyncset.done $0x0  }
0x14: {  	[sflag:s14] =	ssyncadd.s32 $0xFFFFD800  }
0x15: {  	[tilespmem:s15], [sflag:$0x3] =	stream.linear.gather [hbm4b:s4+s3], $0x4000, $0x38;
	[tilespmem:$0x9100] =	vst v63  }
0x16: {  	_ =	swait.ge [sflag:s14], $0x4000  }
0x17: {  	[sflag:s14] =	ssyncset.done $0x0  }
0x18: {  	[sflag:s14] =	ssyncadd.s32 $0xFFFFC000  }
0x19: {  	[bflag:$0x0] =	sbarrier.arrive $0xFFFF  }
0x1a: {  	[tilespmem:s3], [sflag:$0x1] =	stream.linear.gather [hbm4b:s5+s3], $0x80, $0x38;
	[tilespmem:$0x9100] =	vst v63  }
0x1b: {  	_ = 	snop  }
0x1c: {  	[tilespmem:s16], [sflag:$0x2] =	stream.linear.gather [hbm4b:s8+s3], $0x80, $0x38;
	[tilespmem:$0x9100] =	vst v63  }
0x1d: {  	_ =	swait.ge [sflag:s17], $0x80  }
0x1e: {  	[sflag:s17] =	ssyncset.done $0x0  }
0x1f: {  	[sflag:s17] =	ssyncadd.s32 $0xFFFFFF80  }
0x20: {  	[spmem:s2] =	stream.indirect.scatter.add.f32 [tilespmem:s15], [sflag:$0x3], $0x20, s3, s16, $0xb8;
	[tilespmem:$0x9100] =	vst v63  }
0x21: {  	_ =	swait.ge [sflag:s14], $0x1000  }
0x22: {  	[sflag:s14] =	ssyncset.done $0x0  }
0x23: {  	s20 =	sadd.s32 $0x0, s12;
	[sflag:s14] =	ssyncadd.s32 $0xFFFFF000  }
0x24: {  	[tilespmem:s3], [sflag:$0x1] =	stream.linear.gather [hbm4b:s20+s3], $0x80, $0x38;
	[tilespmem:$0x9100] =	vst v63  }
0x25: {  	_ =	swait.ge [sflag:s18], $0x80  }
0x26: {  	[sflag:s18] =	ssyncset.done $0x0  }
0x27: {  	[sflag:s18] =	ssyncadd.s32 $0xFFFFFF80  }
0x28: {  	[spmem:s2] =	stream.indirect.scatter.add.f32 [tilespmem:s15], [sflag:$0x3], $0x20, s16, s16, $0xb8;
	[tilespmem:$0x9100] =	vst v63  }
0x29: {  	_ =	swait.ge [sflag:s14], $0x1000  }
0x2a: {  	[sflag:s14] =	ssyncset.done $0x0  }
0x2b: {  	s21 =	sadd.s32 $0x0, s11;
	s20 =	simm.s32 $0x20;
	[sflag:s14] =	ssyncadd.s32 $0xFFFFF000  }
.LBB2_2:
0x2c: {  	[tilespmem:s16], [sflag:$0x2] =	stream.linear.gather [hbm4b:s21+s3], $0x80, $0x38;
	[tilespmem:$0x9100] =	vst v63  }
0x2d: {  	s21 =	smov.u32 s20  }
0x2e: {  	p0 =	sne.s32 s20, $0x4E0;
	s20 =	sadd.s32 $0x20, s20;
	_ =	swait.ge [sflag:s17], $0x80  }
0x2f: {  	[sflag:s17] =	ssyncset.done $0x0  }
0x30: {  	[sflag:s17] =	ssyncadd.s32 $0xFFFFFF80  }
0x31: {  	[spmem:s2] =	stream.indirect.scatter.add.f32 [tilespmem:s15], [sflag:$0x3], $0x20, s3, s16, $0xb8;
	[tilespmem:$0x9100] =	vst v63  }
0x32: {  	_ =	swait.ge [sflag:s14], $0x1000  }
0x33: {  	[sflag:s14] =	ssyncset.done $0x0  }
0x34: {  	s22 =	sadd.s32 s21, s12;
	[sflag:s14] =	ssyncadd.s32 $0xFFFFF000  }
0x35: {  	[tilespmem:s3], [sflag:$0x1] =	stream.linear.gather [hbm4b:s22+s3], $0x80, $0x38;
	[tilespmem:$0x9100] =	vst v63  }
0x36: {  	_ =	swait.ge [sflag:s18], $0x80  }
0x37: {  	[sflag:s18] =	ssyncset.done $0x0  }
.Ltmp0:
0x38: {  	[sflag:s18] =	ssyncadd.s32 $0xFFFFFF80;
	(pc) =	sbr.rel @p0 .LBB2_2-.Ltmp0, $4  }
0x39: {  	[spmem:s2] =	stream.indirect.scatter.add.f32 [tilespmem:s15], [sflag:$0x3], $0x20, s16, s16, $0xb8;
	[tilespmem:$0x9100] =	vst v63  }
0x3a: {  	_ =	swait.ge [sflag:s14], $0x1000  }
0x3b: {  	[sflag:s14] =	ssyncset.done $0x0  }
0x3c: {  	s21 =	sadd.s32 s21, s11;
	[sflag:s14] =	ssyncadd.s32 $0xFFFFF000  }
0x3d: {  	[tilespmem:s16], [sflag:$0x2] =	stream.linear.gather [hbm4b:s21+s3], $0x80, $0x38;
	[tilespmem:$0x9100] =	vst v63  }
0x3e: {  	_ =	swait.ge [sflag:s17], $0x80  }
0x3f: {  	[sflag:s17] =	ssyncset.done $0x0  }
0x40: {  	[sflag:s17] =	ssyncadd.s32 $0xFFFFFF80  }
0x41: {  	_ =	swait.ge [sflag:s18], $0x80  }
0x42: {  	s19 =	sadd.s32 $0x1, s19;
	[sflag:s18] =	ssyncset.done $0x0  }
0x43: {  	p0 =	sne.s32 s19, s10;
	[sflag:s18] =	ssyncadd.s32 $0xFFFFFF80  }
.Ltmp1:
0x44: {  	[bflag:$0x0] =	sbarrier.arrive $0xFFFF;
	(pc) =	sbr.rel @p0 .LBB2_1-.Ltmp1, $4  }
0x45: {  	[hbm:s9], [sflag:s7] =	dma.local [spmem:s13], $0x2800  }
0x46: {  	_ =	swait.ge [sflag:s14], $0x2800  }
0x47: {  	[sflag:s14] =	ssyncset.done $0x0  }
0x48: {  	[sflag:s14] =	ssyncadd.s32 $0xFFFFD800  }
0x49: {  	_ =	sfence.sel $0x180000  }
0x4a: {  	[bflag:$0x0] =	sbarrier.arrive $0xFFFF  }
0x4b: {  	p0 =	sne.s32 s1, $0x0;
	_ =	strace $0x90000047  }
0x4c: {  	s0 =	sadd.s32 @!p0 $0x100000, s0;
	[bflag:$0x2] =	sbarrier.arrive $0xFFFF  }
0x4d: {  	[sflag:s0] =	ssyncadd.tile.s32 @!p0 $0x1;
	_ =	shalt  }
.Lfunc_end2:
_tile_overlayer_lowered:
.L_overlay_start_2:
0x4e: {  	(tag) =	ssettag $0x2  }
0x4f: {  	s0 =	rddreg [dreg:$0x0];
	s2 =	stileid.u32  }
0x50: {  	s1 =	rddreg [dreg:$0x1];
	p0 =	sne.s32 s2, $0x0  }
0x51: {  	s3 =	rddreg [dreg:$0x2];
	[bflag:$0x3] =	sbarrier.arrive $0xFFFF;
	s2 =	simm.s32 @!p0 $0x1C03  }
0x52: {  	[timem:s3], [sflag:s2] =	dma.local @!p0 [hbm:s0], s1  }
0x53: {  	s0 =	simm.s32 @!p0 $0x3  }
0x54: {  	_ =	swait.ge @!p0 [sflag:s0], s1  }
0x55: {  	s1 =	ssub.s32 @!p0 $0x0, s1;
	[sflag:s0] =	ssyncset.done @!p0 $0x0  }
0x56: {  	[sflag:s0] =	ssyncadd.s32 @!p0 s1  }
0x57: {  	[bflag:$0x3] =	sbarrier.arrive $0xFFFF  }
0x58: {  	_ =	shalt  }

// kernel: kernel.13.cloned.1.call-start
scs
__scs_entry_jumppad:
0x0: {  	(pc) =	sbr.rel $0x88, $3  }
0x1: {  	(tag) =	ssettag $0x0;
	lr =	simm.s32 $0x1  }
0x2: {  	[smem:$0x3F92] =	sst lr;
	_ =	strace $0xD0000000  }
0x3: {  	_ = 	snop  }
0x4: {  	_ = 	snop  }
0x5: {  	_ = 	snop  }
0x6: {  	_ = 	snop  }
0x7: {  	_ = 	snop  }
__scs_overlays_trampoline_lowered:
0x8: {  	[smem:$0x3FA1] =	sst s0  }
0x9: {  	[smem:$0x3FA2] =	sst s1  }
0xa: {  	[smem:$0x3FA3] =	sst s2  }
0xb: {  	[smem:$0x3FA4] =	sst s3  }
0xc: {  	[smem:$0x3FA5] =	sst s4  }
0xd: {  	[smem:$0x3FA6] =	sst s5  }
0xe: {  	[smem:$0x3FA7] =	sst s6  }
0xf: {  	[smem:$0x3FA8] =	sst s7  }
0x10: {  	[smem:$0x3FA9] =	sst s8  }
0x11: {  	[smem:$0x3FAA] =	sst s9;
	s0 =	simm.s32 @!p0 $0x0  }
0x12: {  	s1 =	sld [smem:$0x3F90];
	s0 =	simm.s32 @p0 $0x1  }
0x13: {  	[smem:$0x3FAB] =	sst s0;
	s0 =	simm.s32 @!p1 $0x0  }
0x14: {  	s2 =	sld [smem:$0x3F8F];
	s0 =	simm.s32 @p1 $0x1  }
0x15: {  	[smem:$0x3FAC] =	sst s0;
	s0 =	simm.s32 @!p2 $0x0  }
0x16: {  	s3 =	sld [smem:$0x3FDB];
	s0 =	simm.s32 @p2 $0x1  }
0x17: {  	s4 =	simm.s32 $0x1BF5;
	[smem:$0x3FAE] =	sst s0  }
0x18: {  	s0 =	sld [smem:$0x3F91];
	_ =	swait.ge [sflag:s4], $0x0  }
0x19: {  	s7 =	sld [smem:$0x3F92]  }
0x1a: {  	s8 =	sadd.s32 $0xFFFFE003, lr  }
0x1b: {  	s9 =	sadd.s32 $0xFFFFFEF7, lr;
	s5 =	simm.s32 $0xFFFFFFFF;
	p2 =	slt.u32 s8, $0xFFFFF086  }
0x1c: {  	p1 =	slt.u32 s9, $0xF7A;
	s5 =	simm.s32 @!p2 $0x0  }
0x1d: {  	s5 =	simm.s32 @p1 $0x1;
	p0 =	seq.s32 s7, s2  }
0x1e: {  	s7 =	smul.u32 @!p0 $0xF7A, s2;
	p2 =	seq.s32 @!p0 s5, $0x0  }
0x1f: {  	s9 =	smul.u32 $0xF7A, s1;
	s8 =	simm.s32 @!p0 $0x1BF5;
	p2 =	por !p2, p0  }
0x20: {  	[sflag:s8] =	ssyncset.s32 @!p0 $0xFFFFF086;
	s6 =	sadd.s32 @!p0 s3, s7;
	s7 =	simm.s32 @!p0 $0x108  }
0x21: {  	s3 =	sadd.s32 s3, s9;
	s6 =	sadd.s32 @!p0 $0x88, s6;
	s7 =	simm.s32 @p2 $0x1082  }
0x22: {  	[simem:s7], [sflag:s8] =	dma.local @!p0 [hbm:s6], $0xF7A  }
0x23: {  	s9 =	sor.u32 $0xD0000000, s2;
	s6 =	simm.s32 $0x108;
	_ =	swait.ge @!p0 [sflag:s8], $0x0  }
0x24: {  	s3 =	sadd.s32 $0x88, s3;
	s6 =	simm.s32 @!p1 $0x1082;
	[sflag:s4] =	ssyncset.s32 $0xFFFFF086  }
0x25: {  	[simem:s6], [sflag:s4] =	dma.local [hbm:s3], $0xF7A  }
0x26: {  	[smem:$0x3F92] =	sst s1;
	(tag) =	ssettag s2;
	_ =	strace s9  }
0x27: {  	s1 =	sld [smem:$0x3FA2]  }
0x28: {  	s2 =	sld [smem:$0x3FA3]  }
0x29: {  	s4 =	sld [smem:$0x3FA5]  }
0x2a: {  	p0 =	seq.s32 s5, $0x0;
	s5 =	sld [smem:$0x3FA6]  }
0x2b: {  	s6 =	sld [smem:$0x3FA7]  }
0x2c: {  	s7 =	sld [smem:$0x3FA8]  }
0x2d: {  	s3 =	simm.s32 $0x108;
	s8 =	sld [smem:$0x3FA9]  }
0x2e: {  	s3 =	simm.s32 @!p0 $0x1082;
	s9 =	sld [smem:$0x3FAA]  }
0x2f: {  	lr =	sadd.s32 s0, s3;
	s0 =	sld [smem:$0x3FA1]  }
0x30: {  	s3 =	sld [smem:$0x3FA4]  }
0x31: {  	[smem:$0x3FAD] =	sst s10  }
0x32: {  	s10 =	sld [smem:$0x3FAB];
	_ =	sdelay $0x3  }
0x33: {  	p0 =	seq.s32 s10, $0x1;
	s10 =	sld [smem:$0x3FAD];
	_ =	sdelay $0x3  }
0x34: {  	[smem:$0x3FAD] =	sst s10  }
0x35: {  	s10 =	sld [smem:$0x3FAC];
	_ =	sdelay $0x3  }
0x36: {  	p1 =	seq.s32 s10, $0x1;
	s10 =	sld [smem:$0x3FAD];
	_ =	sdelay $0x3  }
0x37: {  	[smem:$0x3FAD] =	sst s10  }
0x38: {  	s10 =	sld [smem:$0x3FAE]  }
0x39: {  	_ = 	snop;
	(pc) =	sbr.ind lr, $3  }
0x3a: {  	_ = 	snop  }
0x3b: {  	_ = 	snop  }
0x3c: {  	p2 =	seq.s32 s10, $0x1;
	s10 =	sld [smem:$0x3FAD]  }
0x3d: {  	_ =	shalt  }
0x3e: {  	_ =	shalt  }
0x3f: {  	_ =	shalt  }
0x40: {  	_ =	shalt  }
0x41: {  	_ =	shalt  }
0x42: {  	_ =	shalt  }
0x43: {  	_ =	shalt  }
0x44: {  	_ =	shalt  }
0x45: {  	_ =	shalt  }
0x46: {  	_ =	shalt  }
0x47: {  	_ =	shalt  }
0x48: {  	_ =	shalt  }
0x49: {  	_ =	shalt  }
0x4a: {  	_ =	shalt  }
0x4b: {  	_ =	shalt  }
0x4c: {  	_ =	shalt  }
0x4d: {  	_ =	shalt  }
0x4e: {  	_ =	shalt  }
0x4f: {  	_ =	shalt  }
0x50: {  	_ =	shalt  }
0x51: {  	_ =	shalt  }
0x52: {  	_ =	shalt  }
0x53: {  	_ =	shalt  }
0x54: {  	_ =	shalt  }
0x55: {  	_ =	shalt  }
0x56: {  	_ =	shalt  }
0x57: {  	_ =	shalt  }
0x58: {  	_ =	shalt  }
0x59: {  	_ =	shalt  }
0x5a: {  	_ =	shalt  }
0x5b: {  	_ =	shalt  }
0x5c: {  	_ =	shalt  }
0x5d: {  	_ =	shalt  }
0x5e: {  	_ =	shalt  }
0x5f: {  	_ =	shalt  }
0x60: {  	_ =	shalt  }
0x61: {  	_ =	shalt  }
0x62: {  	_ =	shalt  }
0x63: {  	_ =	shalt  }
0x64: {  	_ =	shalt  }
0x65: {  	_ =	shalt  }
0x66: {  	_ =	shalt  }
0x67: {  	_ =	shalt  }
0x68: {  	_ =	shalt  }
0x69: {  	_ =	shalt  }
0x6a: {  	_ =	shalt  }
0x6b: {  	_ =	shalt  }
0x6c: {  	_ =	shalt  }
0x6d: {  	_ =	shalt  }
0x6e: {  	_ =	shalt  }
0x6f: {  	_ =	shalt  }
0x70: {  	_ =	shalt  }
0x71: {  	_ =	shalt  }
0x72: {  	_ =	shalt  }
0x73: {  	_ =	shalt  }
0x74: {  	_ =	shalt  }
0x75: {  	_ =	shalt  }
0x76: {  	_ =	shalt  }
0x77: {  	_ =	shalt  }
0x78: {  	_ =	shalt  }
0x79: {  	_ =	shalt  }
0x7a: {  	_ =	shalt  }
0x7b: {  	_ =	shalt  }
0x7c: {  	_ =	shalt  }
0x7d: {  	_ =	shalt  }
0x7e: {  	_ =	shalt  }
0x7f: {  	_ =	shalt  }
0x80: {  	_ =	shalt  }
0x81: {  	_ =	shalt  }
0x82: {  	_ =	shalt  }
0x83: {  	_ =	shalt  }
0x84: {  	_ =	shalt  }
0x85: {  	_ =	shalt  }
0x86: {  	_ =	shalt  }
0x87: {  	_ =	shalt  }
.Lfunc_end0:
.L_simem_size_0:
called_computation.1_lowered:
.L_overlay_start_0:
0x88: {  	s2 =	sld [smem:$0x3FD9]  }
0x89: {  	s3 =	sld [smem:$0x3FFE];
	_ =	sdelay $0x1  }
0x8a: {  	s1 =	srdreg.scid  }
0x8b: {  	s0 =	sand.u32 $0x1, s1  }
0x8c: {  	s16 =	sshll.u32 s0, $0xA;
	s2 =	sadd.s32 s3, s2  }
0x8d: {  	s2 =	sadd.s32 s2, s16  }
0x8e: {  	[smem:$0x3FB9] =	sst s2  }
0x8f: {  	_ = 	snop  }
0x90: {  	(tm) =	ssettm $0x1  }
0x91: {  	s17 =	sld [smem:$0x3FFB];
	_ =	sdelay $0x3  }
0x92: {  	_ =	strace s17  }
0x93: {  	s2 =	sld [smem:$0x3FFC];
	_ =	sdelay $0x3  }
0x94: {  	_ =	strace s2  }
0x95: {  	s2 =	sld [smem:$0x3FFD];
	_ =	sdelay $0x3  }
0x96: {  	_ =	strace s2  }
0x97: {  	_ =	strace $0x8FFFFFFF  }
0x98: {  	s18 =	sld [smem:$0x3FDB];
	_ =	sdelay $0x1  }
0x99: {  	s19 =	simm.s32 $_scs_section_size  }
0x9a: {  	s4 =	simm.s32 $_size__tile_overlayer_lowered;
	s5 =	simm.s32 $_tile_overlayer_lowered  }
0x9b: {  	s22 =	simm.s32 $0x1BFF;
	s21 =	sshll.u32 s5, $0x1;
	s2 =	sadd.s32 s19, s18  }
0x9c: {  	s6 =	simm.s32 $0x0;
	s20 =	sshll.u32 s4, $0x1;
	s4 =	sadd.s32 s21, s2  }
0x9d: {  	[timem:s6], [sflag:s22] =	dma.local [hbm:s4], s20  }
0x9e: {  	_ =	swait.ge [sflag:s22], s20  }
0x9f: {  	s3 =	ssub.s32 $0x0, s20;
	[sflag:s22] =	ssyncset.done $0x0  }
0xa0: {  	[sflag:s22] =	ssyncadd.s32 s3;
	_ =	sdelay $0x1  }
0xa1: {  	s23 =	simm.s32 $0x1B8B  }
0xa2: {  	_ =	swait.ge [sflag:s23], $0x1  }
0xa3: {  	[sflag:s23] =	ssyncset.done $0x0  }
0xa4: {  	s25 =	simm.s32 $0x1B8E;
	s24 =	sld [smem:$0x3FFE];
	[sflag:s23] =	ssyncadd.s32 $0xFFFFFFFF  }
0xa5: {  	s26 =	simm.s32 $execute0_lowered;
	[smem:$0x3FD2] =	sst s25  }
0xa6: {  	s4 =	sshll.u32 s26, $0x1;
	_ =	strace $0x80000049;
	[dreg:$0x1] =	wrdreg $0xFFFFFFFF  }
0xa7: {  	s28 =	simm.s32 $_size_execute0_lowered;
	s2 =	sadd.s32 s2, s4;
	[dreg:$0x0] =	wrdreg $0x0  }
0xa8: {  	s4 =	sshll.u32 s28, $0x1;
	[dreg:$0x2] =	wrdreg s2  }
0xa9: {  	[dreg:$0x3] =	wrdreg s4  }
0xaa: {  	[dreg:$0x4] =	wrdreg $0xC0  }
0xab: {  	_ =	task [dreg:s6], $0x5FFFF  }
0xac: {  	[dreg:$0x1] =	wrdreg $0xFFFFFFFF  }
0xad: {  	[dreg:$0x0] =	wrdreg $0x60  }
0xae: {  	[dreg:$0x2] =	wrdreg s24  }
0xaf: {  	[dreg:$0x3] =	wrdreg $0xAA000  }
0xb0: {  	[dreg:$0x4] =	wrdreg $0x9  }
0xb1: {  	_ =	task.clear_ibuf [dreg:s6], $0x5FFFF;
	_ =	strace $0x90000049  }
0xb2: {  	s29 =	simm.s32 $0x9;
	_ =	strace $0x8000004B  }
0xb3: {  	_ =	swait.ge [sflag:s29], $0x1  }
0xb4: {  	[sflag:s29] =	ssyncadd.s32 $0xFFFFFFFF  }
0xb5: {  	_ =	strace $0x9000004B  }
0xb6: {  	_ =	sfence  }
0xb7: {  	s30 =	sld [smem:$0x0];
	_ =	sdelay $0x2  }
0xb8: {  	s31 =	sshll.u32 s1, $0xD;
	s1 =	sshrl.u32 s1, $0x2  }
0xb9: {  	s3 =	sand.u32 $0x4000, s31;
	s1 =	sadd.s32 s1, s30  }
0xba: {  	s0 =	sor.u32 s3, s0;
	s1 =	sshll.u32 s1, $0x11  }
0xbb: {  	s0 =	sor.u32 s1, s0  }
0xbc: {  	s0 =	sadd.s32 $0x8F2B, s0  }
0xbd: {  	[sflag:s0] =	ssyncadd.remote.s32 $0x1  }
0xbe: {  	_ =	sfence.sel $0xFFFF  }
0xbf: {  	[dreg:$0x0] =	wrdreg $0xFFFFFFFF;
	(pc) =	sbr.abs _section_cstart, $3  }
0xc0: {  	[dreg:$0x1] =	wrdreg $0xFFFFFFFF  }
0xc1: {  	_ =	task.clear_ibuf [dreg:s6], $0x2FFFF;
	_ =	strace $0x9FFFFFFF  }
0xc2: {  	(tm) =	ssettm $0x7FFFFFFF  }
0xc3: {  	_ =	shalt  }
tec
execute0_lowered:
.L_overlay_start_1:
0x0: {  	(tag) =	ssettag $0x1  }
0x1: {  	s0 =	srdreg.scid;
	s5 =	rddreg [dreg:$0x0]  }
0x2: {  	s2 =	rddreg [dreg:$0x1];
	s1 =	stileid.u32  }
0x3: {  	s3 =	simm.s32 $0x0;
	s18 =	simm.s32 $0x2900;
	s19 =	simm.s32 $0x6A00  }
0x4: {  	s20 =	simm.s32 $0x2980;
	s21 =	simm.s32 $0x1;
	s22 =	simm.s32 $0x3  }
0x5: {  	s23 =	simm.s32 $0x2;
	s6 =	sand.u32 $0x1, s0;
	s0 =	rddreg [dreg:$0x2]  }
0x6: {  	s24 =	simm.s32 $0x4;
	[smem:$0x7FF] =	sst s3;
	s8 =	smul.u32 $0x2800, s1  }
0x7: {  	s11 =	smul.u32 $0x50000, s1;
	s13 =	sadd.s32 $0xF800, s5;
	s29 =	sshll.u32 s1, $0x6  }
0x8: {  	s4 =	sshll.u32 s6, $0x4;
	s25 =	smul.u32 $0x28000, s6;
	s6 =	ssub.s32 $0x2, s6  }
0x9: {  	_ =	strace $0x8000004A;
	s4 =	sor.u32 s1, s4;
	s26 =	sshrl.u32 s6, $0x1  }
0xa: {  	s28 =	sshrl.u32 s11, $0x2;
	s7 =	smul.u32 $0x2800, s4;
	s4 =	sadd.s32 $0x69A00, s5  }
0xb: {  	s12 =	sadd.s32 s8, s25;
	s15 =	ssub.s32 s6, s26;
	s16 =	sadd.s32 s28, s2  }
0xc: {  	s6 =	sor.u32 $0x1C05, s29;
	s25 =	simm.s32 $0x0;
	s14 =	sadd.s32 s12, s5  }
0xd: {  	s30 =	sor.u32 $0x180, s12;
	s12 =	sor.u32 $0x100, s12;
	s11 =	smax.u32 s15, $0x1  }
0xe: {  	s15 =	simm.s32 $0x5;
	s9 =	sshrl.u32 s7, $0x3;
	s31 =	sshrl.u32 s30, $0x3  }
0xf: {  	s17 =	sshrl.u32 s12, $0x3;
	s10 =	sadd.s32 s9, s5;
	s5 =	sadd.s32 s4, s8  }
0x10: {  	s8 =	sadd.s32 s13, s9;
	s12 =	sadd.s32 s31, s13;
	s13 =	sadd.s32 s17, s13  }
0x11: {  	s17 =	simm.s32 $0x2A00;
	s7 =	sadd.s32 $0x5600, s10;
	s9 =	sadd.s32 $0x10, s8  }
0x12: {  	s10 =	sadd.s32 $0xB9A00, s14;
	s14 =	sshrl.u32 s16, $0x3;
	s16 =	simm.s32 $0x80  }
.LBB2_1:
0x13: {  	[spmem:s14], [sflag:s6] =	dma.local [hbm:s5], $0x2800  }
0x14: {  	_ =	swait.ge [sflag:s15], $0x2800  }
0x15: {  	[sflag:s15] =	ssyncset.done $0x0  }
0x16: {  	[sflag:s15] =	ssyncadd.s32 $0xFFFFD800  }
0x17: {  	[tilespmem:s3], [sflag:$0x5] =	stream.linear.gather [hbm4b:s7+s3], $0x2900, $0x38;
	[tilespmem:$0x1EA00] =	vst v63  }
0x18: {  	_ =	swait.ge [sflag:s15], $0x2900  }
0x19: {  	[sflag:s15] =	ssyncset.done $0x0  }
0x1a: {  	[sflag:s15] =	ssyncadd.s32 $0xFFFFD700  }
0x1b: {  	[bflag:$0x0] =	sbarrier.arrive $0xFFFF  }
0x1c: {  	[tilespmem:s17], [sflag:$0x1] =	stream.indirect.gather [hbm4b:s4+s16], $0x80, s3, s16, $0xb8;
	[tilespmem:$0x1EA00] =	vst v63  }
0x1d: {  	_ = 	snop  }
0x1e: {  	[tilespmem:s18], [sflag:$0x3] =	stream.linear.gather [hbm4b:s8+s3], $0x80, $0x38;
	[tilespmem:$0x1EA00] =	vst v63  }
0x1f: {  	_ = 	snop  }
0x20: {  	[tilespmem:s19], [sflag:$0x2] =	stream.indirect.gather [hbm4b:s4+s16], $0x80, s16, s16, $0xb8;
	[tilespmem:$0x1EA00] =	vst v63  }
0x21: {  	_ = 	snop  }
0x22: {  	[tilespmem:s20], [sflag:$0x4] =	stream.linear.gather [hbm4b:s9+s3], $0x80, $0x38;
	[tilespmem:$0x1EA00] =	vst v63  }
0x23: {  	_ =	swait.ge [sflag:s21], $0x4000  }
0x24: {  	[sflag:s21] =	ssyncset.done $0x0  }
0x25: {  	[sflag:s21] =	ssyncadd.s32 $0xFFFFC000  }
0x26: {  	_ =	swait.ge [sflag:s22], $0x80  }
0x27: {  	[sflag:s22] =	ssyncset.done $0x0  }
0x28: {  	[sflag:s22] =	ssyncadd.s32 $0xFFFFFF80  }
0x29: {  	[spmem:s2] =	stream.indirect.scatter.add.f32 [tilespmem:s17], [sflag:$0x5], $0x80, s18, s16, $0xb8;
	[tilespmem:$0x1EA00] =	vst v63  }
0x2a: {  	_ =	swait.ge [sflag:s15], $0x4000  }
0x2b: {  	[sflag:s15] =	ssyncset.done $0x0  }
0x2c: {  	s26 =	simm.s32 $0x100;
	[sflag:s15] =	ssyncadd.s32 $0xFFFFC000  }
0x2d: {  	[tilespmem:s17], [sflag:$0x1] =	stream.indirect.gather [hbm4b:s4+s16], $0x80, s26, s16, $0xb8;
	[tilespmem:$0x1EA00] =	vst v63  }
0x2e: {  	s30 =	sadd.s32 $0x0, s13  }
0x2f: {  	[tilespmem:s18], [sflag:$0x3] =	stream.linear.gather [hbm4b:s30+s3], $0x80, $0x38;
	[tilespmem:$0x1EA00] =	vst v63  }
0x30: {  	_ =	swait.ge [sflag:s23], $0x4000  }
0x31: {  	[sflag:s23] =	ssyncset.done $0x0  }
0x32: {  	[sflag:s23] =	ssyncadd.s32 $0xFFFFC000  }
0x33: {  	_ =	swait.ge [sflag:s24], $0x80  }
0x34: {  	[sflag:s24] =	ssyncset.done $0x0  }
0x35: {  	[sflag:s24] =	ssyncadd.s32 $0xFFFFFF80  }
0x36: {  	[spmem:s2] =	stream.indirect.scatter.add.f32 [tilespmem:s19], [sflag:$0x5], $0x80, s20, s16, $0xb8;
	[tilespmem:$0x1EA00] =	vst v63  }
0x37: {  	_ =	swait.ge [sflag:s15], $0x4000  }
0x38: {  	s31 =	simm.s32 $0x180;
	s29 =	sadd.s32 $0x0, s12;
	[sflag:s15] =	ssyncset.done $0x0  }
0x39: {  	s28 =	simm.s32 $0x280;
	s26 =	simm.s32 $0x20;
	[sflag:s15] =	ssyncadd.s32 $0xFFFFC000  }
0x3a: {  	[tilespmem:s19], [sflag:$0x2] =	stream.indirect.gather [hbm4b:s4+s16], $0x80, s31, s16, $0xb8;
	[tilespmem:$0x1EA00] =	vst v63  }
.LBB2_2:
0x3b: {  	[tilespmem:s20], [sflag:$0x4] =	stream.linear.gather [hbm4b:s29+s3], $0x80, $0x38;
	[tilespmem:$0x1EA00] =	vst v63  }
0x3c: {  	s29 =	smov.u32 s26  }
0x3d: {  	p0 =	sne.s32 s26, $0x4E0;
	s26 =	sadd.s32 $0x20, s26;
	_ =	swait.ge [sflag:s21], $0x4000  }
0x3e: {  	[sflag:s21] =	ssyncset.done $0x0  }
0x3f: {  	[sflag:s21] =	ssyncadd.s32 $0xFFFFC000  }
0x40: {  	_ =	swait.ge [sflag:s22], $0x80  }
0x41: {  	[sflag:s22] =	ssyncset.done $0x0  }
0x42: {  	[sflag:s22] =	ssyncadd.s32 $0xFFFFFF80  }
0x43: {  	[spmem:s2] =	stream.indirect.scatter.add.f32 [tilespmem:s17], [sflag:$0x5], $0x80, s18, s16, $0xb8;
	[tilespmem:$0x1EA00] =	vst v63  }
0x44: {  	_ =	swait.ge [sflag:s15], $0x4000  }
0x45: {  	[sflag:s15] =	ssyncset.done $0x0  }
0x46: {  	s30 =	sadd.s32 $0xFFFFFF80, s28;
	[sflag:s15] =	ssyncadd.s32 $0xFFFFC000  }
0x47: {  	[tilespmem:s17], [sflag:$0x1] =	stream.indirect.gather [hbm4b:s4+s16], $0x80, s30, s16, $0xb8;
	[tilespmem:$0x1EA00] =	vst v63  }
0x48: {  	s30 =	sadd.s32 s29, s13  }
0x49: {  	[tilespmem:s18], [sflag:$0x3] =	stream.linear.gather [hbm4b:s30+s3], $0x80, $0x38;
	[tilespmem:$0x1EA00] =	vst v63  }
0x4a: {  	_ =	swait.ge [sflag:s23], $0x4000  }
0x4b: {  	[sflag:s23] =	ssyncset.done $0x0  }
0x4c: {  	[sflag:s23] =	ssyncadd.s32 $0xFFFFC000  }
0x4d: {  	_ =	swait.ge [sflag:s24], $0x80  }
0x4e: {  	[sflag:s24] =	ssyncset.done $0x0  }
0x4f: {  	[sflag:s24] =	ssyncadd.s32 $0xFFFFFF80  }
0x50: {  	[spmem:s2] =	stream.indirect.scatter.add.f32 [tilespmem:s19], [sflag:$0x5], $0x80, s20, s16, $0xb8;
	[tilespmem:$0x1EA00] =	vst v63  }
.Ltmp0:
0x51: {  	_ =	swait.ge [sflag:s15], $0x4000;
	(pc) =	sbr.rel @p0 .LBB2_2-.Ltmp0, $4  }
0x52: {  	[sflag:s15] =	ssyncset.done $0x0  }
0x53: {  	[sflag:s15] =	ssyncadd.s32 $0xFFFFC000  }
0x54: {  	[tilespmem:s19], [sflag:$0x2] =	stream.indirect.gather [hbm4b:s4+s16], $0x80, s28, s16, $0xb8;
	[tilespmem:$0x1EA00] =	vst v63  }
0x55: {  	s29 =	sadd.s32 s29, s12;
	s28 =	sadd.s32 $0x100, s28  }
0x56: {  	[tilespmem:s20], [sflag:$0x4] =	stream.linear.gather [hbm4b:s29+s3], $0x80, $0x38;
	[tilespmem:$0x1EA00] =	vst v63  }
0x57: {  	_ =	swait.ge [sflag:s21], $0x4000  }
0x58: {  	[sflag:s21] =	ssyncset.done $0x0  }
0x59: {  	[sflag:s21] =	ssyncadd.s32 $0xFFFFC000  }
0x5a: {  	_ =	swait.ge [sflag:s22], $0x80  }
0x5b: {  	[sflag:s22] =	ssyncset.done $0x0  }
0x5c: {  	[sflag:s22] =	ssyncadd.s32 $0xFFFFFF80  }
0x5d: {  	_ =	swait.ge [sflag:s23], $0x4000  }
0x5e: {  	[sflag:s23] =	ssyncset.done $0x0  }
0x5f: {  	[sflag:s23] =	ssyncadd.s32 $0xFFFFC000  }
0x60: {  	_ =	swait.ge [sflag:s24], $0x80  }
0x61: {  	s25 =	sadd.s32 $0x1, s25;
	[sflag:s24] =	ssyncset.done $0x0  }
0x62: {  	p0 =	sne.s32 s25, s11;
	[sflag:s24] =	ssyncadd.s32 $0xFFFFFF80  }
.Ltmp1:
0x63: {  	[bflag:$0x0] =	sbarrier.arrive $0xFFFF;
	(pc) =	sbr.rel @p0 .LBB2_1-.Ltmp1, $4  }
0x64: {  	[hbm:s10], [sflag:s6] =	dma.local [spmem:s14], $0x2800  }
0x65: {  	_ =	swait.ge [sflag:s15], $0x2800  }
0x66: {  	[sflag:s15] =	ssyncset.done $0x0  }
0x67: {  	[sflag:s15] =	ssyncadd.s32 $0xFFFFD800  }
0x68: {  	_ =	sfence.sel $0x180000  }
0x69: {  	[bflag:$0x0] =	sbarrier.arrive $0xFFFF  }
0x6a: {  	p0 =	sne.s32 s1, $0x0;
	_ =	strace $0x9000004A  }
0x6b: {  	s0 =	sadd.s32 @!p0 $0x100000, s0;
	[bflag:$0x2] =	sbarrier.arrive $0xFFFF  }
0x6c: {  	[sflag:s0] =	ssyncadd.tile.s32 @!p0 $0x1;
	_ =	shalt  }
.Lfunc_end2:
_tile_overlayer_lowered:
.L_overlay_start_2:
0x6d: {  	(tag) =	ssettag $0x2  }
0x6e: {  	s0 =	rddreg [dreg:$0x0];
	s2 =	stileid.u32  }
0x6f: {  	s1 =	rddreg [dreg:$0x1];
	p0 =	sne.s32 s2, $0x0  }
0x70: {  	s3 =	rddreg [dreg:$0x2];
	[bflag:$0x3] =	sbarrier.arrive $0xFFFF;
	s2 =	simm.s32 @!p0 $0x1C05  }
0x71: {  	[timem:s3], [sflag:s2] =	dma.local @!p0 [hbm:s0], s1  }
0x72: {  	s0 =	simm.s32 @!p0 $0x5  }
0x73: {  	_ =	swait.ge @!p0 [sflag:s0], s1  }
0x74: {  	s1 =	ssub.s32 @!p0 $0x0, s1;
	[sflag:s0] =	ssyncset.done @!p0 $0x0  }
0x75: {  	[sflag:s0] =	ssyncadd.s32 @!p0 s1  }
0x76: {  	[bflag:$0x3] =	sbarrier.arrive $0xFFFF  }
0x77: {  	_ =	shalt  }

// kernel: kernel.16.cloned.1.call-start
scs
__scs_entry_jumppad:
0x0: {  	(pc) =	sbr.rel $0x88, $3  }
0x1: {  	(tag) =	ssettag $0x0;
	lr =	simm.s32 $0x1  }
0x2: {  	[smem:$0x3F92] =	sst lr;
	_ =	strace $0xD0000000  }
0x3: {  	_ = 	snop  }
0x4: {  	_ = 	snop  }
0x5: {  	_ = 	snop  }
0x6: {  	_ = 	snop  }
0x7: {  	_ = 	snop  }
__scs_overlays_trampoline_lowered:
0x8: {  	[smem:$0x3FA1] =	sst s0  }
0x9: {  	[smem:$0x3FA2] =	sst s1  }
0xa: {  	[smem:$0x3FA3] =	sst s2  }
0xb: {  	[smem:$0x3FA4] =	sst s3  }
0xc: {  	[smem:$0x3FA5] =	sst s4  }
0xd: {  	[smem:$0x3FA6] =	sst s5  }
0xe: {  	[smem:$0x3FA7] =	sst s6  }
0xf: {  	[smem:$0x3FA8] =	sst s7  }
0x10: {  	[smem:$0x3FA9] =	sst s8  }
0x11: {  	[smem:$0x3FAA] =	sst s9;
	s0 =	simm.s32 @!p0 $0x0  }
0x12: {  	s1 =	sld [smem:$0x3F90];
	s0 =	simm.s32 @p0 $0x1  }
0x13: {  	[smem:$0x3FAB] =	sst s0;
	s0 =	simm.s32 @!p1 $0x0  }
0x14: {  	s2 =	sld [smem:$0x3F8F];
	s0 =	simm.s32 @p1 $0x1  }
0x15: {  	[smem:$0x3FAC] =	sst s0;
	s0 =	simm.s32 @!p2 $0x0  }
0x16: {  	s3 =	sld [smem:$0x3FDB];
	s0 =	simm.s32 @p2 $0x1  }
0x17: {  	s4 =	simm.s32 $0x1BF5;
	[smem:$0x3FAE] =	sst s0  }
0x18: {  	s0 =	sld [smem:$0x3F91];
	_ =	swait.ge [sflag:s4], $0x0  }
0x19: {  	s7 =	sld [smem:$0x3F92]  }
0x1a: {  	s8 =	sadd.s32 $0xFFFFE003, lr  }
0x1b: {  	s9 =	sadd.s32 $0xFFFFFEF7, lr;
	s5 =	simm.s32 $0xFFFFFFFF;
	p2 =	slt.u32 s8, $0xFFFFF086  }
0x1c: {  	p1 =	slt.u32 s9, $0xF7A;
	s5 =	simm.s32 @!p2 $0x0  }
0x1d: {  	s5 =	simm.s32 @p1 $0x1;
	p0 =	seq.s32 s7, s2  }
0x1e: {  	s7 =	smul.u32 @!p0 $0xF7A, s2;
	p2 =	seq.s32 @!p0 s5, $0x0  }
0x1f: {  	s9 =	smul.u32 $0xF7A, s1;
	s8 =	simm.s32 @!p0 $0x1BF5;
	p2 =	por !p2, p0  }
0x20: {  	[sflag:s8] =	ssyncset.s32 @!p0 $0xFFFFF086;
	s6 =	sadd.s32 @!p0 s3, s7;
	s7 =	simm.s32 @!p0 $0x108  }
0x21: {  	s3 =	sadd.s32 s3, s9;
	s6 =	sadd.s32 @!p0 $0x88, s6;
	s7 =	simm.s32 @p2 $0x1082  }
0x22: {  	[simem:s7], [sflag:s8] =	dma.local @!p0 [hbm:s6], $0xF7A  }
0x23: {  	s9 =	sor.u32 $0xD0000000, s2;
	s6 =	simm.s32 $0x108;
	_ =	swait.ge @!p0 [sflag:s8], $0x0  }
0x24: {  	s3 =	sadd.s32 $0x88, s3;
	s6 =	simm.s32 @!p1 $0x1082;
	[sflag:s4] =	ssyncset.s32 $0xFFFFF086  }
0x25: {  	[simem:s6], [sflag:s4] =	dma.local [hbm:s3], $0xF7A  }
0x26: {  	[smem:$0x3F92] =	sst s1;
	(tag) =	ssettag s2;
	_ =	strace s9  }
0x27: {  	s1 =	sld [smem:$0x3FA2]  }
0x28: {  	s2 =	sld [smem:$0x3FA3]  }
0x29: {  	s4 =	sld [smem:$0x3FA5]  }
0x2a: {  	p0 =	seq.s32 s5, $0x0;
	s5 =	sld [smem:$0x3FA6]  }
0x2b: {  	s6 =	sld [smem:$0x3FA7]  }
0x2c: {  	s7 =	sld [smem:$0x3FA8]  }
0x2d: {  	s3 =	simm.s32 $0x108;
	s8 =	sld [smem:$0x3FA9]  }
0x2e: {  	s3 =	simm.s32 @!p0 $0x1082;
	s9 =	sld [smem:$0x3FAA]  }
0x2f: {  	lr =	sadd.s32 s0, s3;
	s0 =	sld [smem:$0x3FA1]  }
0x30: {  	s3 =	sld [smem:$0x3FA4]  }
0x31: {  	[smem:$0x3FAD] =	sst s10  }
0x32: {  	s10 =	sld [smem:$0x3FAB];
	_ =	sdelay $0x3  }
0x33: {  	p0 =	seq.s32 s10, $0x1;
	s10 =	sld [smem:$0x3FAD];
	_ =	sdelay $0x3  }
0x34: {  	[smem:$0x3FAD] =	sst s10  }
0x35: {  	s10 =	sld [smem:$0x3FAC];
	_ =	sdelay $0x3  }
0x36: {  	p1 =	seq.s32 s10, $0x1;
	s10 =	sld [smem:$0x3FAD];
	_ =	sdelay $0x3  }
0x37: {  	[smem:$0x3FAD] =	sst s10  }
0x38: {  	s10 =	sld [smem:$0x3FAE]  }
0x39: {  	_ = 	snop;
	(pc) =	sbr.ind lr, $3  }
0x3a: {  	_ = 	snop  }
0x3b: {  	_ = 	snop  }
0x3c: {  	p2 =	seq.s32 s10, $0x1;
	s10 =	sld [smem:$0x3FAD]  }
0x3d: {  	_ =	shalt  }
0x3e: {  	_ =	shalt  }
0x3f: {  	_ =	shalt  }
0x40: {  	_ =	shalt  }
0x41: {  	_ =	shalt  }
0x42: {  	_ =	shalt  }
0x43: {  	_ =	shalt  }
0x44: {  	_ =	shalt  }
0x45: {  	_ =	shalt  }
0x46: {  	_ =	shalt  }
0x47: {  	_ =	shalt  }
0x48: {  	_ =	shalt  }
0x49: {  	_ =	shalt  }
0x4a: {  	_ =	shalt  }
0x4b: {  	_ =	shalt  }
0x4c: {  	_ =	shalt  }
0x4d: {  	_ =	shalt  }
0x4e: {  	_ =	shalt  }
0x4f: {  	_ =	shalt  }
0x50: {  	_ =	shalt  }
0x51: {  	_ =	shalt  }
0x52: {  	_ =	shalt  }
0x53: {  	_ =	shalt  }
0x54: {  	_ =	shalt  }
0x55: {  	_ =	shalt  }
0x56: {  	_ =	shalt  }
0x57: {  	_ =	shalt  }
0x58: {  	_ =	shalt  }
0x59: {  	_ =	shalt  }
0x5a: {  	_ =	shalt  }
0x5b: {  	_ =	shalt  }
0x5c: {  	_ =	shalt  }
0x5d: {  	_ =	shalt  }
0x5e: {  	_ =	shalt  }
0x5f: {  	_ =	shalt  }
0x60: {  	_ =	shalt  }
0x61: {  	_ =	shalt  }
0x62: {  	_ =	shalt  }
0x63: {  	_ =	shalt  }
0x64: {  	_ =	shalt  }
0x65: {  	_ =	shalt  }
0x66: {  	_ =	shalt  }
0x67: {  	_ =	shalt  }
0x68: {  	_ =	shalt  }
0x69: {  	_ =	shalt  }
0x6a: {  	_ =	shalt  }
0x6b: {  	_ =	shalt  }
0x6c: {  	_ =	shalt  }
0x6d: {  	_ =	shalt  }
0x6e: {  	_ =	shalt  }
0x6f: {  	_ =	shalt  }
0x70: {  	_ =	shalt  }
0x71: {  	_ =	shalt  }
0x72: {  	_ =	shalt  }
0x73: {  	_ =	shalt  }
0x74: {  	_ =	shalt  }
0x75: {  	_ =	shalt  }
0x76: {  	_ =	shalt  }
0x77: {  	_ =	shalt  }
0x78: {  	_ =	shalt  }
0x79: {  	_ =	shalt  }
0x7a: {  	_ =	shalt  }
0x7b: {  	_ =	shalt  }
0x7c: {  	_ =	shalt  }
0x7d: {  	_ =	shalt  }
0x7e: {  	_ =	shalt  }
0x7f: {  	_ =	shalt  }
0x80: {  	_ =	shalt  }
0x81: {  	_ =	shalt  }
0x82: {  	_ =	shalt  }
0x83: {  	_ =	shalt  }
0x84: {  	_ =	shalt  }
0x85: {  	_ =	shalt  }
0x86: {  	_ =	shalt  }
0x87: {  	_ =	shalt  }
.Lfunc_end0:
.L_simem_size_0:
called_computation.2_lowered:
.L_overlay_start_0:
0x88: {  	s2 =	sld [smem:$0x3FD9]  }
0x89: {  	s3 =	sld [smem:$0x3FFE];
	_ =	sdelay $0x1  }
0x8a: {  	s1 =	srdreg.scid  }
0x8b: {  	s0 =	sand.u32 $0x1, s1  }
0x8c: {  	s16 =	sshll.u32 s0, $0xA;
	s2 =	sadd.s32 s3, s2  }
0x8d: {  	s2 =	sadd.s32 s2, s16  }
0x8e: {  	[smem:$0x3FB9] =	sst s2  }
0x8f: {  	_ = 	snop  }
0x90: {  	(tm) =	ssettm $0x1  }
0x91: {  	s17 =	sld [smem:$0x3FFB];
	_ =	sdelay $0x3  }
0x92: {  	_ =	strace s17  }
0x93: {  	s2 =	sld [smem:$0x3FFC];
	_ =	sdelay $0x3  }
0x94: {  	_ =	strace s2  }
0x95: {  	s2 =	sld [smem:$0x3FFD];
	_ =	sdelay $0x3  }
0x96: {  	_ =	strace s2  }
0x97: {  	_ =	strace $0x8FFFFFFF  }
0x98: {  	s18 =	sld [smem:$0x3FDB];
	_ =	sdelay $0x1  }
0x99: {  	s19 =	simm.s32 $_scs_section_size  }
0x9a: {  	s4 =	simm.s32 $_size__tile_overlayer_lowered;
	s5 =	simm.s32 $_tile_overlayer_lowered  }
0x9b: {  	s22 =	simm.s32 $0x1BFF;
	s21 =	sshll.u32 s5, $0x1;
	s2 =	sadd.s32 s19, s18  }
0x9c: {  	s6 =	simm.s32 $0x0;
	s20 =	sshll.u32 s4, $0x1;
	s4 =	sadd.s32 s21, s2  }
0x9d: {  	[timem:s6], [sflag:s22] =	dma.local [hbm:s4], s20  }
0x9e: {  	_ =	swait.ge [sflag:s22], s20  }
0x9f: {  	s3 =	ssub.s32 $0x0, s20;
	[sflag:s22] =	ssyncset.done $0x0  }
0xa0: {  	[sflag:s22] =	ssyncadd.s32 s3;
	_ =	sdelay $0x1  }
0xa1: {  	s23 =	simm.s32 $0x1B8B  }
0xa2: {  	_ =	swait.ge [sflag:s23], $0x1  }
0xa3: {  	[sflag:s23] =	ssyncset.done $0x0  }
0xa4: {  	s25 =	simm.s32 $0x1B8E;
	s24 =	sld [smem:$0x3FFE];
	[sflag:s23] =	ssyncadd.s32 $0xFFFFFFFF  }
0xa5: {  	s26 =	simm.s32 $execute0_lowered;
	[smem:$0x3FD2] =	sst s25  }
0xa6: {  	s4 =	sshll.u32 s26, $0x1;
	_ =	strace $0x8000004C;
	[dreg:$0x1] =	wrdreg $0xFFFFFFFF  }
0xa7: {  	s28 =	simm.s32 $_size_execute0_lowered;
	s2 =	sadd.s32 s2, s4;
	[dreg:$0x0] =	wrdreg $0x0  }
0xa8: {  	s4 =	sshll.u32 s28, $0x1;
	[dreg:$0x2] =	wrdreg s2  }
0xa9: {  	[dreg:$0x3] =	wrdreg s4  }
0xaa: {  	[dreg:$0x4] =	wrdreg $0xC0  }
0xab: {  	_ =	task [dreg:s6], $0x5FFFF  }
0xac: {  	[dreg:$0x1] =	wrdreg $0xFFFFFFFF  }
0xad: {  	[dreg:$0x0] =	wrdreg $0x60  }
0xae: {  	[dreg:$0x2] =	wrdreg s24  }
0xaf: {  	[dreg:$0x3] =	wrdreg $0xAA000  }
0xb0: {  	[dreg:$0x4] =	wrdreg $0x9  }
0xb1: {  	_ =	task.clear_ibuf [dreg:s6], $0x5FFFF;
	_ =	strace $0x9000004C  }
0xb2: {  	s29 =	simm.s32 $0x9;
	_ =	strace $0x8000004E  }
0xb3: {  	_ =	swait.ge [sflag:s29], $0x1  }
0xb4: {  	[sflag:s29] =	ssyncadd.s32 $0xFFFFFFFF  }
0xb5: {  	_ =	strace $0x9000004E  }
0xb6: {  	_ =	sfence  }
0xb7: {  	s30 =	sld [smem:$0x0];
	_ =	sdelay $0x2  }
0xb8: {  	s31 =	sshll.u32 s1, $0xD;
	s1 =	sshrl.u32 s1, $0x2  }
0xb9: {  	s3 =	sand.u32 $0x4000, s31;
	s1 =	sadd.s32 s1, s30  }
0xba: {  	s0 =	sor.u32 s3, s0;
	s1 =	sshll.u32 s1, $0x11  }
0xbb: {  	s0 =	sor.u32 s1, s0  }
0xbc: {  	s0 =	sadd.s32 $0x8F2B, s0  }
0xbd: {  	[sflag:s0] =	ssyncadd.remote.s32 $0x1  }
0xbe: {  	_ =	sfence.sel $0xFFFF  }
0xbf: {  	[dreg:$0x0] =	wrdreg $0xFFFFFFFF;
	(pc) =	sbr.abs _section_cstart, $3  }
0xc0: {  	[dreg:$0x1] =	wrdreg $0xFFFFFFFF  }
0xc1: {  	_ =	task.clear_ibuf [dreg:s6], $0x2FFFF;
	_ =	strace $0x9FFFFFFF  }
0xc2: {  	(tm) =	ssettm $0x7FFFFFFF  }
0xc3: {  	_ =	shalt  }
tec
execute0_lowered:
.L_overlay_start_1:
0x0: {  	(tag) =	ssettag $0x1  }
0x1: {  	s0 =	srdreg.scid;
	s5 =	rddreg [dreg:$0x0]  }
0x2: {  	s2 =	rddreg [dreg:$0x1];
	s1 =	stileid.u32  }
0x3: {  	s3 =	simm.s32 $0x0;
	s18 =	simm.s32 $0x2900;
	s19 =	simm.s32 $0x6A00  }
0x4: {  	s20 =	simm.s32 $0x2980;
	s21 =	simm.s32 $0x1;
	s22 =	simm.s32 $0x3  }
0x5: {  	s23 =	simm.s32 $0x2;
	s6 =	sand.u32 $0x1, s0;
	s0 =	rddreg [dreg:$0x2]  }
0x6: {  	s24 =	simm.s32 $0x4;
	[smem:$0x7FF] =	sst s3;
	s8 =	smul.u32 $0x2800, s1  }
0x7: {  	s11 =	smul.u32 $0x50000, s1;
	s13 =	sadd.s32 $0xF800, s5;
	s29 =	sshll.u32 s1, $0x6  }
0x8: {  	s4 =	sshll.u32 s6, $0x4;
	s25 =	smul.u32 $0x28000, s6;
	s6 =	ssub.s32 $0x2, s6  }
0x9: {  	_ =	strace $0x8000004D;
	s4 =	sor.u32 s1, s4;
	s26 =	sshrl.u32 s6, $0x1  }
0xa: {  	s28 =	sshrl.u32 s11, $0x2;
	s7 =	smul.u32 $0x2800, s4;
	s4 =	sadd.s32 $0x69A00, s5  }
0xb: {  	s12 =	sadd.s32 s8, s25;
	s15 =	ssub.s32 s6, s26;
	s16 =	sadd.s32 s28, s2  }
0xc: {  	s6 =	sor.u32 $0x1C05, s29;
	s25 =	simm.s32 $0x0;
	s14 =	sadd.s32 s12, s5  }
0xd: {  	s30 =	sor.u32 $0x180, s12;
	s12 =	sor.u32 $0x100, s12;
	s11 =	smax.u32 s15, $0x1  }
0xe: {  	s15 =	simm.s32 $0x5;
	s9 =	sshrl.u32 s7, $0x3;
	s31 =	sshrl.u32 s30, $0x3  }
0xf: {  	s17 =	sshrl.u32 s12, $0x3;
	s10 =	sadd.s32 s9, s5;
	s5 =	sadd.s32 s4, s8  }
0x10: {  	s8 =	sadd.s32 s13, s9;
	s12 =	sadd.s32 s31, s13;
	s13 =	sadd.s32 s17, s13  }
0x11: {  	s17 =	simm.s32 $0x2A00;
	s7 =	sadd.s32 $0x5600, s10;
	s9 =	sadd.s32 $0x10, s8  }
0x12: {  	s10 =	sadd.s32 $0x91A00, s14;
	s14 =	sshrl.u32 s16, $0x3;
	s16 =	simm.s32 $0x80  }
.LBB2_1:
0x13: {  	[spmem:s14], [sflag:s6] =	dma.local [hbm:s5], $0x2800  }
0x14: {  	_ =	swait.ge [sflag:s15], $0x2800  }
0x15: {  	[sflag:s15] =	ssyncset.done $0x0  }
0x16: {  	[sflag:s15] =	ssyncadd.s32 $0xFFFFD800  }
0x17: {  	[tilespmem:s3], [sflag:$0x5] =	stream.linear.gather [hbm4b:s7+s3], $0x2900, $0x38;
	[tilespmem:$0x1EA00] =	vst v63  }
0x18: {  	_ =	swait.ge [sflag:s15], $0x2900  }
0x19: {  	[sflag:s15] =	ssyncset.done $0x0  }
0x1a: {  	[sflag:s15] =	ssyncadd.s32 $0xFFFFD700  }
0x1b: {  	[bflag:$0x0] =	sbarrier.arrive $0xFFFF  }
0x1c: {  	[tilespmem:s17], [sflag:$0x1] =	stream.indirect.gather [hbm4b:s4+s16], $0x80, s3, s16, $0xb8;
	[tilespmem:$0x1EA00] =	vst v63  }
0x1d: {  	_ = 	snop  }
0x1e: {  	[tilespmem:s18], [sflag:$0x3] =	stream.linear.gather [hbm4b:s8+s3], $0x80, $0x38;
	[tilespmem:$0x1EA00] =	vst v63  }
0x1f: {  	_ = 	snop  }
0x20: {  	[tilespmem:s19], [sflag:$0x2] =	stream.indirect.gather [hbm4b:s4+s16], $0x80, s16, s16, $0xb8;
	[tilespmem:$0x1EA00] =	vst v63  }
0x21: {  	_ = 	snop  }
0x22: {  	[tilespmem:s20], [sflag:$0x4] =	stream.linear.gather [hbm4b:s9+s3], $0x80, $0x38;
	[tilespmem:$0x1EA00] =	vst v63  }
0x23: {  	_ =	swait.ge [sflag:s21], $0x4000  }
0x24: {  	[sflag:s21] =	ssyncset.done $0x0  }
0x25: {  	[sflag:s21] =	ssyncadd.s32 $0xFFFFC000  }
0x26: {  	_ =	swait.ge [sflag:s22], $0x80  }
0x27: {  	[sflag:s22] =	ssyncset.done $0x0  }
0x28: {  	[sflag:s22] =	ssyncadd.s32 $0xFFFFFF80  }
0x29: {  	[spmem:s2] =	stream.indirect.scatter.add.f32 [tilespmem:s17], [sflag:$0x5], $0x80, s18, s16, $0xb8;
	[tilespmem:$0x1EA00] =	vst v63  }
0x2a: {  	_ =	swait.ge [sflag:s15], $0x4000  }
0x2b: {  	[sflag:s15] =	ssyncset.done $0x0  }
0x2c: {  	s26 =	simm.s32 $0x100;
	[sflag:s15] =	ssyncadd.s32 $0xFFFFC000  }
0x2d: {  	[tilespmem:s17], [sflag:$0x1] =	stream.indirect.gather [hbm4b:s4+s16], $0x80, s26, s16, $0xb8;
	[tilespmem:$0x1EA00] =	vst v63  }
0x2e: {  	s30 =	sadd.s32 $0x0, s13  }
0x2f: {  	[tilespmem:s18], [sflag:$0x3] =	stream.linear.gather [hbm4b:s30+s3], $0x80, $0x38;
	[tilespmem:$0x1EA00] =	vst v63  }
0x30: {  	_ =	swait.ge [sflag:s23], $0x4000  }
0x31: {  	[sflag:s23] =	ssyncset.done $0x0  }
0x32: {  	[sflag:s23] =	ssyncadd.s32 $0xFFFFC000  }
0x33: {  	_ =	swait.ge [sflag:s24], $0x80  }
0x34: {  	[sflag:s24] =	ssyncset.done $0x0  }
0x35: {  	[sflag:s24] =	ssyncadd.s32 $0xFFFFFF80  }
0x36: {  	[spmem:s2] =	stream.indirect.scatter.add.f32 [tilespmem:s19], [sflag:$0x5], $0x80, s20, s16, $0xb8;
	[tilespmem:$0x1EA00] =	vst v63  }
0x37: {  	_ =	swait.ge [sflag:s15], $0x4000  }
0x38: {  	s31 =	simm.s32 $0x180;
	s29 =	sadd.s32 $0x0, s12;
	[sflag:s15] =	ssyncset.done $0x0  }
0x39: {  	s28 =	simm.s32 $0x280;
	s26 =	simm.s32 $0x20;
	[sflag:s15] =	ssyncadd.s32 $0xFFFFC000  }
0x3a: {  	[tilespmem:s19], [sflag:$0x2] =	stream.indirect.gather [hbm4b:s4+s16], $0x80, s31, s16, $0xb8;
	[tilespmem:$0x1EA00] =	vst v63  }
.LBB2_2:
0x3b: {  	[tilespmem:s20], [sflag:$0x4] =	stream.linear.gather [hbm4b:s29+s3], $0x80, $0x38;
	[tilespmem:$0x1EA00] =	vst v63  }
0x3c: {  	s29 =	smov.u32 s26  }
0x3d: {  	p0 =	sne.s32 s26, $0x4E0;
	s26 =	sadd.s32 $0x20, s26;
	_ =	swait.ge [sflag:s21], $0x4000  }
0x3e: {  	[sflag:s21] =	ssyncset.done $0x0  }
0x3f: {  	[sflag:s21] =	ssyncadd.s32 $0xFFFFC000  }
0x40: {  	_ =	swait.ge [sflag:s22], $0x80  }
0x41: {  	[sflag:s22] =	ssyncset.done $0x0  }
0x42: {  	[sflag:s22] =	ssyncadd.s32 $0xFFFFFF80  }
0x43: {  	[spmem:s2] =	stream.indirect.scatter.add.f32 [tilespmem:s17], [sflag:$0x5], $0x80, s18, s16, $0xb8;
	[tilespmem:$0x1EA00] =	vst v63  }
0x44: {  	_ =	swait.ge [sflag:s15], $0x4000  }
0x45: {  	[sflag:s15] =	ssyncset.done $0x0  }
0x46: {  	s30 =	sadd.s32 $0xFFFFFF80, s28;
	[sflag:s15] =	ssyncadd.s32 $0xFFFFC000  }
0x47: {  	[tilespmem:s17], [sflag:$0x1] =	stream.indirect.gather [hbm4b:s4+s16], $0x80, s30, s16, $0xb8;
	[tilespmem:$0x1EA00] =	vst v63  }
0x48: {  	s30 =	sadd.s32 s29, s13  }
0x49: {  	[tilespmem:s18], [sflag:$0x3] =	stream.linear.gather [hbm4b:s30+s3], $0x80, $0x38;
	[tilespmem:$0x1EA00] =	vst v63  }
0x4a: {  	_ =	swait.ge [sflag:s23], $0x4000  }
0x4b: {  	[sflag:s23] =	ssyncset.done $0x0  }
0x4c: {  	[sflag:s23] =	ssyncadd.s32 $0xFFFFC000  }
0x4d: {  	_ =	swait.ge [sflag:s24], $0x80  }
0x4e: {  	[sflag:s24] =	ssyncset.done $0x0  }
0x4f: {  	[sflag:s24] =	ssyncadd.s32 $0xFFFFFF80  }
0x50: {  	[spmem:s2] =	stream.indirect.scatter.add.f32 [tilespmem:s19], [sflag:$0x5], $0x80, s20, s16, $0xb8;
	[tilespmem:$0x1EA00] =	vst v63  }
.Ltmp0:
0x51: {  	_ =	swait.ge [sflag:s15], $0x4000;
	(pc) =	sbr.rel @p0 .LBB2_2-.Ltmp0, $4  }
0x52: {  	[sflag:s15] =	ssyncset.done $0x0  }
0x53: {  	[sflag:s15] =	ssyncadd.s32 $0xFFFFC000  }
0x54: {  	[tilespmem:s19], [sflag:$0x2] =	stream.indirect.gather [hbm4b:s4+s16], $0x80, s28, s16, $0xb8;
	[tilespmem:$0x1EA00] =	vst v63  }
0x55: {  	s29 =	sadd.s32 s29, s12;
	s28 =	sadd.s32 $0x100, s28  }
0x56: {  	[tilespmem:s20], [sflag:$0x4] =	stream.linear.gather [hbm4b:s29+s3], $0x80, $0x38;
	[tilespmem:$0x1EA00] =	vst v63  }
0x57: {  	_ =	swait.ge [sflag:s21], $0x4000  }
0x58: {  	[sflag:s21] =	ssyncset.done $0x0  }
0x59: {  	[sflag:s21] =	ssyncadd.s32 $0xFFFFC000  }
0x5a: {  	_ =	swait.ge [sflag:s22], $0x80  }
0x5b: {  	[sflag:s22] =	ssyncset.done $0x0  }
0x5c: {  	[sflag:s22] =	ssyncadd.s32 $0xFFFFFF80  }
0x5d: {  	_ =	swait.ge [sflag:s23], $0x4000  }
0x5e: {  	[sflag:s23] =	ssyncset.done $0x0  }
0x5f: {  	[sflag:s23] =	ssyncadd.s32 $0xFFFFC000  }
0x60: {  	_ =	swait.ge [sflag:s24], $0x80  }
0x61: {  	s25 =	sadd.s32 $0x1, s25;
	[sflag:s24] =	ssyncset.done $0x0  }
0x62: {  	p0 =	sne.s32 s25, s11;
	[sflag:s24] =	ssyncadd.s32 $0xFFFFFF80  }
.Ltmp1:
0x63: {  	[bflag:$0x0] =	sbarrier.arrive $0xFFFF;
	(pc) =	sbr.rel @p0 .LBB2_1-.Ltmp1, $4  }
0x64: {  	[hbm:s10], [sflag:s6] =	dma.local [spmem:s14], $0x2800  }
0x65: {  	_ =	swait.ge [sflag:s15], $0x2800  }
0x66: {  	[sflag:s15] =	ssyncset.done $0x0  }
0x67: {  	[sflag:s15] =	ssyncadd.s32 $0xFFFFD800  }
0x68: {  	_ =	sfence.sel $0x180000  }
0x69: {  	[bflag:$0x0] =	sbarrier.arrive $0xFFFF  }
0x6a: {  	p0 =	sne.s32 s1, $0x0;
	_ =	strace $0x9000004D  }
0x6b: {  	s0 =	sadd.s32 @!p0 $0x100000, s0;
	[bflag:$0x2] =	sbarrier.arrive $0xFFFF  }
0x6c: {  	[sflag:s0] =	ssyncadd.tile.s32 @!p0 $0x1;
	_ =	shalt  }
.Lfunc_end2:
_tile_overlayer_lowered:
.L_overlay_start_2:
0x6d: {  	(tag) =	ssettag $0x2  }
0x6e: {  	s0 =	rddreg [dreg:$0x0];
	s2 =	stileid.u32  }
0x6f: {  	s1 =	rddreg [dreg:$0x1];
	p0 =	sne.s32 s2, $0x0  }
0x70: {  	s3 =	rddreg [dreg:$0x2];
	[bflag:$0x3] =	sbarrier.arrive $0xFFFF;
	s2 =	simm.s32 @!p0 $0x1C05  }
0x71: {  	[timem:s3], [sflag:s2] =	dma.local @!p0 [hbm:s0], s1  }
0x72: {  	s0 =	simm.s32 @!p0 $0x5  }
0x73: {  	_ =	swait.ge @!p0 [sflag:s0], s1  }
0x74: {  	s1 =	ssub.s32 @!p0 $0x0, s1;
	[sflag:s0] =	ssyncset.done @!p0 $0x0  }
0x75: {  	[sflag:s0] =	ssyncadd.s32 @!p0 s1  }
0x76: {  	[bflag:$0x3] =	sbarrier.arrive $0xFFFF  }
0x77: {  	_ =	shalt  }

// kernel: kernel.19.cloned.1.call-start
scs
__scs_entry_jumppad:
0x0: {  	(pc) =	sbr.rel $0x88, $3  }
0x1: {  	(tag) =	ssettag $0x0;
	lr =	simm.s32 $0x1  }
0x2: {  	[smem:$0x3F92] =	sst lr;
	_ =	strace $0xD0000000  }
0x3: {  	_ = 	snop  }
0x4: {  	_ = 	snop  }
0x5: {  	_ = 	snop  }
0x6: {  	_ = 	snop  }
0x7: {  	_ = 	snop  }
__scs_overlays_trampoline_lowered:
0x8: {  	[smem:$0x3FA1] =	sst s0  }
0x9: {  	[smem:$0x3FA2] =	sst s1  }
0xa: {  	[smem:$0x3FA3] =	sst s2  }
0xb: {  	[smem:$0x3FA4] =	sst s3  }
0xc: {  	[smem:$0x3FA5] =	sst s4  }
0xd: {  	[smem:$0x3FA6] =	sst s5  }
0xe: {  	[smem:$0x3FA7] =	sst s6  }
0xf: {  	[smem:$0x3FA8] =	sst s7  }
0x10: {  	[smem:$0x3FA9] =	sst s8  }
0x11: {  	[smem:$0x3FAA] =	sst s9;
	s0 =	simm.s32 @!p0 $0x0  }
0x12: {  	s1 =	sld [smem:$0x3F90];
	s0 =	simm.s32 @p0 $0x1  }
0x13: {  	[smem:$0x3FAB] =	sst s0;
	s0 =	simm.s32 @!p1 $0x0  }
0x14: {  	s2 =	sld [smem:$0x3F8F];
	s0 =	simm.s32 @p1 $0x1  }
0x15: {  	[smem:$0x3FAC] =	sst s0;
	s0 =	simm.s32 @!p2 $0x0  }
0x16: {  	s3 =	sld [smem:$0x3FDB];
	s0 =	simm.s32 @p2 $0x1  }
0x17: {  	s4 =	simm.s32 $0x1BF5;
	[smem:$0x3FAE] =	sst s0  }
0x18: {  	s0 =	sld [smem:$0x3F91];
	_ =	swait.ge [sflag:s4], $0x0  }
0x19: {  	s7 =	sld [smem:$0x3F92]  }
0x1a: {  	s8 =	sadd.s32 $0xFFFFE003, lr  }
0x1b: {  	s9 =	sadd.s32 $0xFFFFFEF7, lr;
	s5 =	simm.s32 $0xFFFFFFFF;
	p2 =	slt.u32 s8, $0xFFFFF086  }
0x1c: {  	p1 =	slt.u32 s9, $0xF7A;
	s5 =	simm.s32 @!p2 $0x0  }
0x1d: {  	s5 =	simm.s32 @p1 $0x1;
	p0 =	seq.s32 s7, s2  }
0x1e: {  	s7 =	smul.u32 @!p0 $0xF7A, s2;
	p2 =	seq.s32 @!p0 s5, $0x0  }
0x1f: {  	s9 =	smul.u32 $0xF7A, s1;
	s8 =	simm.s32 @!p0 $0x1BF5;
	p2 =	por !p2, p0  }
0x20: {  	[sflag:s8] =	ssyncset.s32 @!p0 $0xFFFFF086;
	s6 =	sadd.s32 @!p0 s3, s7;
	s7 =	simm.s32 @!p0 $0x108  }
0x21: {  	s3 =	sadd.s32 s3, s9;
	s6 =	sadd.s32 @!p0 $0x88, s6;
	s7 =	simm.s32 @p2 $0x1082  }
0x22: {  	[simem:s7], [sflag:s8] =	dma.local @!p0 [hbm:s6], $0xF7A  }
0x23: {  	s9 =	sor.u32 $0xD0000000, s2;
	s6 =	simm.s32 $0x108;
	_ =	swait.ge @!p0 [sflag:s8], $0x0  }
0x24: {  	s3 =	sadd.s32 $0x88, s3;
	s6 =	simm.s32 @!p1 $0x1082;
	[sflag:s4] =	ssyncset.s32 $0xFFFFF086  }
0x25: {  	[simem:s6], [sflag:s4] =	dma.local [hbm:s3], $0xF7A  }
0x26: {  	[smem:$0x3F92] =	sst s1;
	(tag) =	ssettag s2;
	_ =	strace s9  }
0x27: {  	s1 =	sld [smem:$0x3FA2]  }
0x28: {  	s2 =	sld [smem:$0x3FA3]  }
0x29: {  	s4 =	sld [smem:$0x3FA5]  }
0x2a: {  	p0 =	seq.s32 s5, $0x0;
	s5 =	sld [smem:$0x3FA6]  }
0x2b: {  	s6 =	sld [smem:$0x3FA7]  }
0x2c: {  	s7 =	sld [smem:$0x3FA8]  }
0x2d: {  	s3 =	simm.s32 $0x108;
	s8 =	sld [smem:$0x3FA9]  }
0x2e: {  	s3 =	simm.s32 @!p0 $0x1082;
	s9 =	sld [smem:$0x3FAA]  }
0x2f: {  	lr =	sadd.s32 s0, s3;
	s0 =	sld [smem:$0x3FA1]  }
0x30: {  	s3 =	sld [smem:$0x3FA4]  }
0x31: {  	[smem:$0x3FAD] =	sst s10  }
0x32: {  	s10 =	sld [smem:$0x3FAB];
	_ =	sdelay $0x3  }
0x33: {  	p0 =	seq.s32 s10, $0x1;
	s10 =	sld [smem:$0x3FAD];
	_ =	sdelay $0x3  }
0x34: {  	[smem:$0x3FAD] =	sst s10  }
0x35: {  	s10 =	sld [smem:$0x3FAC];
	_ =	sdelay $0x3  }
0x36: {  	p1 =	seq.s32 s10, $0x1;
	s10 =	sld [smem:$0x3FAD];
	_ =	sdelay $0x3  }
0x37: {  	[smem:$0x3FAD] =	sst s10  }
0x38: {  	s10 =	sld [smem:$0x3FAE]  }
0x39: {  	_ = 	snop;
	(pc) =	sbr.ind lr, $3  }
0x3a: {  	_ = 	snop  }
0x3b: {  	_ = 	snop  }
0x3c: {  	p2 =	seq.s32 s10, $0x1;
	s10 =	sld [smem:$0x3FAD]  }
0x3d: {  	_ =	shalt  }
0x3e: {  	_ =	shalt  }
0x3f: {  	_ =	shalt  }
0x40: {  	_ =	shalt  }
0x41: {  	_ =	shalt  }
0x42: {  	_ =	shalt  }
0x43: {  	_ =	shalt  }
0x44: {  	_ =	shalt  }
0x45: {  	_ =	shalt  }
0x46: {  	_ =	shalt  }
0x47: {  	_ =	shalt  }
0x48: {  	_ =	shalt  }
0x49: {  	_ =	shalt  }
0x4a: {  	_ =	shalt  }
0x4b: {  	_ =	shalt  }
0x4c: {  	_ =	shalt  }
0x4d: {  	_ =	shalt  }
0x4e: {  	_ =	shalt  }
0x4f: {  	_ =	shalt  }
0x50: {  	_ =	shalt  }
0x51: {  	_ =	shalt  }
0x52: {  	_ =	shalt  }
0x53: {  	_ =	shalt  }
0x54: {  	_ =	shalt  }
0x55: {  	_ =	shalt  }
0x56: {  	_ =	shalt  }
0x57: {  	_ =	shalt  }
0x58: {  	_ =	shalt  }
0x59: {  	_ =	shalt  }
0x5a: {  	_ =	shalt  }
0x5b: {  	_ =	shalt  }
0x5c: {  	_ =	shalt  }
0x5d: {  	_ =	shalt  }
0x5e: {  	_ =	shalt  }
0x5f: {  	_ =	shalt  }
0x60: {  	_ =	shalt  }
0x61: {  	_ =	shalt  }
0x62: {  	_ =	shalt  }
0x63: {  	_ =	shalt  }
0x64: {  	_ =	shalt  }
0x65: {  	_ =	shalt  }
0x66: {  	_ =	shalt  }
0x67: {  	_ =	shalt  }
0x68: {  	_ =	shalt  }
0x69: {  	_ =	shalt  }
0x6a: {  	_ =	shalt  }
0x6b: {  	_ =	shalt  }
0x6c: {  	_ =	shalt  }
0x6d: {  	_ =	shalt  }
0x6e: {  	_ =	shalt  }
0x6f: {  	_ =	shalt  }
0x70: {  	_ =	shalt  }
0x71: {  	_ =	shalt  }
0x72: {  	_ =	shalt  }
0x73: {  	_ =	shalt  }
0x74: {  	_ =	shalt  }
0x75: {  	_ =	shalt  }
0x76: {  	_ =	shalt  }
0x77: {  	_ =	shalt  }
0x78: {  	_ =	shalt  }
0x79: {  	_ =	shalt  }
0x7a: {  	_ =	shalt  }
0x7b: {  	_ =	shalt  }
0x7c: {  	_ =	shalt  }
0x7d: {  	_ =	shalt  }
0x7e: {  	_ =	shalt  }
0x7f: {  	_ =	shalt  }
0x80: {  	_ =	shalt  }
0x81: {  	_ =	shalt  }
0x82: {  	_ =	shalt  }
0x83: {  	_ =	shalt  }
0x84: {  	_ =	shalt  }
0x85: {  	_ =	shalt  }
0x86: {  	_ =	shalt  }
0x87: {  	_ =	shalt  }
.Lfunc_end0:
.L_simem_size_0:
called_computation.3_lowered:
.L_overlay_start_0:
0x88: {  	s2 =	sld [smem:$0x3FD9]  }
0x89: {  	s3 =	sld [smem:$0x3FFE];
	_ =	sdelay $0x1  }
0x8a: {  	s1 =	srdreg.scid  }
0x8b: {  	s0 =	sand.u32 $0x1, s1  }
0x8c: {  	s16 =	sshll.u32 s0, $0xA;
	s2 =	sadd.s32 s3, s2  }
0x8d: {  	s2 =	sadd.s32 s2, s16  }
0x8e: {  	[smem:$0x3FB9] =	sst s2  }
0x8f: {  	_ = 	snop  }
0x90: {  	(tm) =	ssettm $0x1  }
0x91: {  	s17 =	sld [smem:$0x3FFB];
	_ =	sdelay $0x3  }
0x92: {  	_ =	strace s17  }
0x93: {  	s2 =	sld [smem:$0x3FFC];
	_ =	sdelay $0x3  }
0x94: {  	_ =	strace s2  }
0x95: {  	s2 =	sld [smem:$0x3FFD];
	_ =	sdelay $0x3  }
0x96: {  	_ =	strace s2  }
0x97: {  	_ =	strace $0x8FFFFFFF  }
0x98: {  	s18 =	sld [smem:$0x3FDB];
	_ =	sdelay $0x1  }
0x99: {  	s19 =	simm.s32 $_scs_section_size  }
0x9a: {  	s4 =	simm.s32 $_size__tile_overlayer_lowered;
	s5 =	simm.s32 $_tile_overlayer_lowered  }
0x9b: {  	s22 =	simm.s32 $0x1BFF;
	s21 =	sshll.u32 s5, $0x1;
	s2 =	sadd.s32 s19, s18  }
0x9c: {  	s6 =	simm.s32 $0x0;
	s20 =	sshll.u32 s4, $0x1;
	s4 =	sadd.s32 s21, s2  }
0x9d: {  	[timem:s6], [sflag:s22] =	dma.local [hbm:s4], s20  }
0x9e: {  	_ =	swait.ge [sflag:s22], s20  }
0x9f: {  	s3 =	ssub.s32 $0x0, s20;
	[sflag:s22] =	ssyncset.done $0x0  }
0xa0: {  	[sflag:s22] =	ssyncadd.s32 s3;
	_ =	sdelay $0x1  }
0xa1: {  	s23 =	simm.s32 $0x1B8B  }
0xa2: {  	_ =	swait.ge [sflag:s23], $0x1  }
0xa3: {  	[sflag:s23] =	ssyncset.done $0x0  }
0xa4: {  	s25 =	simm.s32 $0x1B8E;
	s24 =	sld [smem:$0x3FFE];
	[sflag:s23] =	ssyncadd.s32 $0xFFFFFFFF  }
0xa5: {  	s26 =	simm.s32 $execute0_lowered;
	[smem:$0x3FD2] =	sst s25  }
0xa6: {  	s4 =	sshll.u32 s26, $0x1;
	_ =	strace $0x8000004F;
	[dreg:$0x1] =	wrdreg $0xFFFFFFFF  }
0xa7: {  	s28 =	simm.s32 $_size_execute0_lowered;
	s2 =	sadd.s32 s2, s4;
	[dreg:$0x0] =	wrdreg $0x0  }
0xa8: {  	s4 =	sshll.u32 s28, $0x1;
	[dreg:$0x2] =	wrdreg s2  }
0xa9: {  	[dreg:$0x3] =	wrdreg s4  }
0xaa: {  	[dreg:$0x4] =	wrdreg $0xC0  }
0xab: {  	_ =	task [dreg:s6], $0x5FFFF  }
0xac: {  	[dreg:$0x1] =	wrdreg $0xFFFFFFFF  }
0xad: {  	[dreg:$0x0] =	wrdreg $0x60  }
0xae: {  	[dreg:$0x2] =	wrdreg s24  }
0xaf: {  	[dreg:$0x3] =	wrdreg $0xAA000  }
0xb0: {  	[dreg:$0x4] =	wrdreg $0x9  }
0xb1: {  	_ =	task.clear_ibuf [dreg:s6], $0x5FFFF;
	_ =	strace $0x9000004F  }
0xb2: {  	s29 =	simm.s32 $0x9;
	_ =	strace $0x80000051  }
0xb3: {  	_ =	swait.ge [sflag:s29], $0x1  }
0xb4: {  	[sflag:s29] =	ssyncadd.s32 $0xFFFFFFFF  }
0xb5: {  	_ =	strace $0x90000051  }
0xb6: {  	_ =	sfence  }
0xb7: {  	s30 =	sld [smem:$0x0];
	_ =	sdelay $0x2  }
0xb8: {  	s31 =	sshll.u32 s1, $0xD;
	s1 =	sshrl.u32 s1, $0x2  }
0xb9: {  	s3 =	sand.u32 $0x4000, s31;
	s1 =	sadd.s32 s1, s30  }
0xba: {  	s0 =	sor.u32 s3, s0;
	s1 =	sshll.u32 s1, $0x11  }
0xbb: {  	s0 =	sor.u32 s1, s0  }
0xbc: {  	s0 =	sadd.s32 $0x8F2B, s0  }
0xbd: {  	[sflag:s0] =	ssyncadd.remote.s32 $0x1  }
0xbe: {  	_ =	sfence.sel $0xFFFF  }
0xbf: {  	[dreg:$0x0] =	wrdreg $0xFFFFFFFF;
	(pc) =	sbr.abs _section_cstart, $3  }
0xc0: {  	[dreg:$0x1] =	wrdreg $0xFFFFFFFF  }
0xc1: {  	_ =	task.clear_ibuf [dreg:s6], $0x2FFFF;
	_ =	strace $0x9FFFFFFF  }
0xc2: {  	(tm) =	ssettm $0x7FFFFFFF  }
0xc3: {  	_ =	shalt  }
tec
execute0_lowered:
.L_overlay_start_1:
0x0: {  	(tag) =	ssettag $0x1  }
0x1: {  	s0 =	srdreg.scid;
	s5 =	rddreg [dreg:$0x0]  }
0x2: {  	s2 =	rddreg [dreg:$0x1];
	s1 =	stileid.u32  }
0x3: {  	s3 =	simm.s32 $0x0;
	s18 =	simm.s32 $0x2900;
	s19 =	simm.s32 $0x6A00  }
0x4: {  	s20 =	simm.s32 $0x2980;
	s21 =	simm.s32 $0x1;
	s22 =	simm.s32 $0x3  }
0x5: {  	s23 =	simm.s32 $0x2;
	s6 =	sand.u32 $0x1, s0;
	s0 =	rddreg [dreg:$0x2]  }
0x6: {  	s24 =	simm.s32 $0x4;
	[smem:$0x7FF] =	sst s3;
	s8 =	smul.u32 $0x2800, s1  }
0x7: {  	s11 =	smul.u32 $0x50000, s1;
	s13 =	sadd.s32 $0xF800, s5;
	s29 =	sshll.u32 s1, $0x6  }
0x8: {  	s4 =	sshll.u32 s6, $0x4;
	s25 =	smul.u32 $0x28000, s6;
	s6 =	ssub.s32 $0x2, s6  }
0x9: {  	_ =	strace $0x80000050;
	s4 =	sor.u32 s1, s4;
	s26 =	sshrl.u32 s6, $0x1  }
0xa: {  	s28 =	sshrl.u32 s11, $0x2;
	s7 =	smul.u32 $0x2800, s4;
	s4 =	sadd.s32 $0x69A00, s5  }
0xb: {  	s12 =	sadd.s32 s8, s25;
	s15 =	ssub.s32 s6, s26;
	s16 =	sadd.s32 s28, s2  }
0xc: {  	s6 =	sor.u32 $0x1C05, s29;
	s25 =	simm.s32 $0x0;
	s14 =	sadd.s32 s12, s5  }
0xd: {  	s30 =	sor.u32 $0x180, s12;
	s12 =	sor.u32 $0x100, s12;
	s11 =	smax.u32 s15, $0x1  }
0xe: {  	s15 =	simm.s32 $0x5;
	s9 =	sshrl.u32 s7, $0x3;
	s31 =	sshrl.u32 s30, $0x3  }
0xf: {  	s17 =	sshrl.u32 s12, $0x3;
	s10 =	sadd.s32 s9, s5;
	s5 =	sadd.s32 s4, s8  }
0x10: {  	s8 =	sadd.s32 s13, s9;
	s12 =	sadd.s32 s31, s13;
	s13 =	sadd.s32 s17, s13  }
0x11: {  	s17 =	simm.s32 $0x2A00;
	s7 =	sadd.s32 $0x5600, s10;
	s9 =	sadd.s32 $0x10, s8  }
0x12: {  	s10 =	sadd.s32 $0x91A00, s14;
	s14 =	sshrl.u32 s16, $0x3;
	s16 =	simm.s32 $0x80  }
.LBB2_1:
0x13: {  	[spmem:s14], [sflag:s6] =	dma.local [hbm:s5], $0x2800  }
0x14: {  	_ =	swait.ge [sflag:s15], $0x2800  }
0x15: {  	[sflag:s15] =	ssyncset.done $0x0  }
0x16: {  	[sflag:s15] =	ssyncadd.s32 $0xFFFFD800  }
0x17: {  	[tilespmem:s3], [sflag:$0x5] =	stream.linear.gather [hbm4b:s7+s3], $0x2900, $0x38;
	[tilespmem:$0x1EA00] =	vst v63  }
0x18: {  	_ =	swait.ge [sflag:s15], $0x2900  }
0x19: {  	[sflag:s15] =	ssyncset.done $0x0  }
0x1a: {  	[sflag:s15] =	ssyncadd.s32 $0xFFFFD700  }
0x1b: {  	[bflag:$0x0] =	sbarrier.arrive $0xFFFF  }
0x1c: {  	[tilespmem:s17], [sflag:$0x1] =	stream.indirect.gather [hbm4b:s4+s16], $0x80, s3, s16, $0xb8;
	[tilespmem:$0x1EA00] =	vst v63  }
0x1d: {  	_ = 	snop  }
0x1e: {  	[tilespmem:s18], [sflag:$0x3] =	stream.linear.gather [hbm4b:s8+s3], $0x80, $0x38;
	[tilespmem:$0x1EA00] =	vst v63  }
0x1f: {  	_ = 	snop  }
0x20: {  	[tilespmem:s19], [sflag:$0x2] =	stream.indirect.gather [hbm4b:s4+s16], $0x80, s16, s16, $0xb8;
	[tilespmem:$0x1EA00] =	vst v63  }
0x21: {  	_ = 	snop  }
0x22: {  	[tilespmem:s20], [sflag:$0x4] =	stream.linear.gather [hbm4b:s9+s3], $0x80, $0x38;
	[tilespmem:$0x1EA00] =	vst v63  }
0x23: {  	_ =	swait.ge [sflag:s21], $0x4000  }
0x24: {  	[sflag:s21] =	ssyncset.done $0x0  }
0x25: {  	[sflag:s21] =	ssyncadd.s32 $0xFFFFC000  }
0x26: {  	_ =	swait.ge [sflag:s22], $0x80  }
0x27: {  	[sflag:s22] =	ssyncset.done $0x0  }
0x28: {  	[sflag:s22] =	ssyncadd.s32 $0xFFFFFF80  }
0x29: {  	[spmem:s2] =	stream.indirect.scatter.add.f32 [tilespmem:s17], [sflag:$0x5], $0x80, s18, s16, $0xb8;
	[tilespmem:$0x1EA00] =	vst v63  }
0x2a: {  	_ =	swait.ge [sflag:s15], $0x4000  }
0x2b: {  	[sflag:s15] =	ssyncset.done $0x0  }
0x2c: {  	s26 =	simm.s32 $0x100;
	[sflag:s15] =	ssyncadd.s32 $0xFFFFC000  }
0x2d: {  	[tilespmem:s17], [sflag:$0x1] =	stream.indirect.gather [hbm4b:s4+s16], $0x80, s26, s16, $0xb8;
	[tilespmem:$0x1EA00] =	vst v63  }
0x2e: {  	s30 =	sadd.s32 $0x0, s13  }
0x2f: {  	[tilespmem:s18], [sflag:$0x3] =	stream.linear.gather [hbm4b:s30+s3], $0x80, $0x38;
	[tilespmem:$0x1EA00] =	vst v63  }
0x30: {  	_ =	swait.ge [sflag:s23], $0x4000  }
0x31: {  	[sflag:s23] =	ssyncset.done $0x0  }
0x32: {  	[sflag:s23] =	ssyncadd.s32 $0xFFFFC000  }
0x33: {  	_ =	swait.ge [sflag:s24], $0x80  }
0x34: {  	[sflag:s24] =	ssyncset.done $0x0  }
0x35: {  	[sflag:s24] =	ssyncadd.s32 $0xFFFFFF80  }
0x36: {  	[spmem:s2] =	stream.indirect.scatter.add.f32 [tilespmem:s19], [sflag:$0x5], $0x80, s20, s16, $0xb8;
	[tilespmem:$0x1EA00] =	vst v63  }
0x37: {  	_ =	swait.ge [sflag:s15], $0x4000  }
0x38: {  	s31 =	simm.s32 $0x180;
	s29 =	sadd.s32 $0x0, s12;
	[sflag:s15] =	ssyncset.done $0x0  }
0x39: {  	s28 =	simm.s32 $0x280;
	s26 =	simm.s32 $0x20;
	[sflag:s15] =	ssyncadd.s32 $0xFFFFC000  }
0x3a: {  	[tilespmem:s19], [sflag:$0x2] =	stream.indirect.gather [hbm4b:s4+s16], $0x80, s31, s16, $0xb8;
	[tilespmem:$0x1EA00] =	vst v63  }
.LBB2_2:
0x3b: {  	[tilespmem:s20], [sflag:$0x4] =	stream.linear.gather [hbm4b:s29+s3], $0x80, $0x38;
	[tilespmem:$0x1EA00] =	vst v63  }
0x3c: {  	s29 =	smov.u32 s26  }
0x3d: {  	p0 =	sne.s32 s26, $0x4E0;
	s26 =	sadd.s32 $0x20, s26;
	_ =	swait.ge [sflag:s21], $0x4000  }
0x3e: {  	[sflag:s21] =	ssyncset.done $0x0  }
0x3f: {  	[sflag:s21] =	ssyncadd.s32 $0xFFFFC000  }
0x40: {  	_ =	swait.ge [sflag:s22], $0x80  }
0x41: {  	[sflag:s22] =	ssyncset.done $0x0  }
0x42: {  	[sflag:s22] =	ssyncadd.s32 $0xFFFFFF80  }
0x43: {  	[spmem:s2] =	stream.indirect.scatter.add.f32 [tilespmem:s17], [sflag:$0x5], $0x80, s18, s16, $0xb8;
	[tilespmem:$0x1EA00] =	vst v63  }
0x44: {  	_ =	swait.ge [sflag:s15], $0x4000  }
0x45: {  	[sflag:s15] =	ssyncset.done $0x0  }
0x46: {  	s30 =	sadd.s32 $0xFFFFFF80, s28;
	[sflag:s15] =	ssyncadd.s32 $0xFFFFC000  }
0x47: {  	[tilespmem:s17], [sflag:$0x1] =	stream.indirect.gather [hbm4b:s4+s16], $0x80, s30, s16, $0xb8;
	[tilespmem:$0x1EA00] =	vst v63  }
0x48: {  	s30 =	sadd.s32 s29, s13  }
0x49: {  	[tilespmem:s18], [sflag:$0x3] =	stream.linear.gather [hbm4b:s30+s3], $0x80, $0x38;
	[tilespmem:$0x1EA00] =	vst v63  }
0x4a: {  	_ =	swait.ge [sflag:s23], $0x4000  }
0x4b: {  	[sflag:s23] =	ssyncset.done $0x0  }
0x4c: {  	[sflag:s23] =	ssyncadd.s32 $0xFFFFC000  }
0x4d: {  	_ =	swait.ge [sflag:s24], $0x80  }
0x4e: {  	[sflag:s24] =	ssyncset.done $0x0  }
0x4f: {  	[sflag:s24] =	ssyncadd.s32 $0xFFFFFF80  }
0x50: {  	[spmem:s2] =	stream.indirect.scatter.add.f32 [tilespmem:s19], [sflag:$0x5], $0x80, s20, s16, $0xb8;
	[tilespmem:$0x1EA00] =	vst v63  }
.Ltmp0:
0x51: {  	_ =	swait.ge [sflag:s15], $0x4000;
	(pc) =	sbr.rel @p0 .LBB2_2-.Ltmp0, $4  }
0x52: {  	[sflag:s15] =	ssyncset.done $0x0  }
0x53: {  	[sflag:s15] =	ssyncadd.s32 $0xFFFFC000  }
0x54: {  	[tilespmem:s19], [sflag:$0x2] =	stream.indirect.gather [hbm4b:s4+s16], $0x80, s28, s16, $0xb8;
	[tilespmem:$0x1EA00] =	vst v63  }
0x55: {  	s29 =	sadd.s32 s29, s12;
	s28 =	sadd.s32 $0x100, s28  }
0x56: {  	[tilespmem:s20], [sflag:$0x4] =	stream.linear.gather [hbm4b:s29+s3], $0x80, $0x38;
	[tilespmem:$0x1EA00] =	vst v63  }
0x57: {  	_ =	swait.ge [sflag:s21], $0x4000  }
0x58: {  	[sflag:s21] =	ssyncset.done $0x0  }
0x59: {  	[sflag:s21] =	ssyncadd.s32 $0xFFFFC000  }
0x5a: {  	_ =	swait.ge [sflag:s22], $0x80  }
0x5b: {  	[sflag:s22] =	ssyncset.done $0x0  }
0x5c: {  	[sflag:s22] =	ssyncadd.s32 $0xFFFFFF80  }
0x5d: {  	_ =	swait.ge [sflag:s23], $0x4000  }
0x5e: {  	[sflag:s23] =	ssyncset.done $0x0  }
0x5f: {  	[sflag:s23] =	ssyncadd.s32 $0xFFFFC000  }
0x60: {  	_ =	swait.ge [sflag:s24], $0x80  }
0x61: {  	s25 =	sadd.s32 $0x1, s25;
	[sflag:s24] =	ssyncset.done $0x0  }
0x62: {  	p0 =	sne.s32 s25, s11;
	[sflag:s24] =	ssyncadd.s32 $0xFFFFFF80  }
.Ltmp1:
0x63: {  	[bflag:$0x0] =	sbarrier.arrive $0xFFFF;
	(pc) =	sbr.rel @p0 .LBB2_1-.Ltmp1, $4  }
0x64: {  	[hbm:s10], [sflag:s6] =	dma.local [spmem:s14], $0x2800  }
0x65: {  	_ =	swait.ge [sflag:s15], $0x2800  }
0x66: {  	[sflag:s15] =	ssyncset.done $0x0  }
0x67: {  	[sflag:s15] =	ssyncadd.s32 $0xFFFFD800  }
0x68: {  	_ =	sfence.sel $0x180000  }
0x69: {  	[bflag:$0x0] =	sbarrier.arrive $0xFFFF  }
0x6a: {  	p0 =	sne.s32 s1, $0x0;
	_ =	strace $0x90000050  }
0x6b: {  	s0 =	sadd.s32 @!p0 $0x100000, s0;
	[bflag:$0x2] =	sbarrier.arrive $0xFFFF  }
0x6c: {  	[sflag:s0] =	ssyncadd.tile.s32 @!p0 $0x1;
	_ =	shalt  }
.Lfunc_end2:
_tile_overlayer_lowered:
.L_overlay_start_2:
0x6d: {  	(tag) =	ssettag $0x2  }
0x6e: {  	s0 =	rddreg [dreg:$0x0];
	s2 =	stileid.u32  }
0x6f: {  	s1 =	rddreg [dreg:$0x1];
	p0 =	sne.s32 s2, $0x0  }
0x70: {  	s3 =	rddreg [dreg:$0x2];
	[bflag:$0x3] =	sbarrier.arrive $0xFFFF;
	s2 =	simm.s32 @!p0 $0x1C05  }
0x71: {  	[timem:s3], [sflag:s2] =	dma.local @!p0 [hbm:s0], s1  }
0x72: {  	s0 =	simm.s32 @!p0 $0x5  }
0x73: {  	_ =	swait.ge @!p0 [sflag:s0], s1  }
0x74: {  	s1 =	ssub.s32 @!p0 $0x0, s1;
	[sflag:s0] =	ssyncset.done @!p0 $0x0  }
0x75: {  	[sflag:s0] =	ssyncadd.s32 @!p0 s1  }
0x76: {  	[bflag:$0x3] =	sbarrier.arrive $0xFFFF  }
0x77: {  	_ =	shalt  }

</sc_bundles>
